<compile_context>
chip_gen: v7x
topology: tpu7x:2x2x1
jax: 0.10.2.dev20260603
libtpu: 0.0.44.dev20260713+nightly
codegen_flags: <defaults>
</compile_context>

<pallas_src>
import functools

import jax
import jax.numpy as jnp
from jax import lax
from jax.experimental import pallas as pl
from jax.experimental.pallas import tpu as pltpu
from jax.experimental.pallas import tpu_sc as plsc

_B = 16384
_D = 16
_NC = 2
_NS = 16
_NW = _NC * _NS
_BPW = _B // _NW
_IPW = 2 * _BPW
_CHUNK = 128
_NCHUNK = _IPW // _CHUNK


def _dot_kernel(table_hbm, idx_hbm, out_hbm, idx_v, rows, out_v, sem):
    wid = lax.axis_index("s") * _NC + lax.axis_index("c")
    base = wid * _BPW

    pltpu.sync_copy(idx_hbm.at[wid], idx_v)

    copies = []
    for j in range(_NCHUNK):
        dst = rows.at[pl.ds(j * _CHUNK, _CHUNK)]
        copies.append(pltpu.async_copy(table_hbm.at[idx_v.at[j]], dst, sem))
    for c in copies:
        c.wait()

    lane = lax.iota(jnp.int32, 16)

    def tile_body(t, _):
        acc = jnp.zeros((16,), jnp.float32)
        for r in range(16):
            i = 2 * (t * 16 + r)
            p = rows[i] * rows[i + 1]
            s = jnp.sum(p)
            acc = jnp.where(lane == r, s, acc)
        out_v[pl.ds(t * 16, 16)] = acc
        return ()

    lax.fori_loop(0, _BPW // 16, tile_body, ())

    pltpu.sync_copy(out_v, out_hbm.at[pl.ds(base, _BPW)])


@jax.jit
def kernel(inputs, table):
    idx3 = inputs.reshape(_NW, _NCHUNK, _CHUNK)

    k = functools.partial(
        pl.kernel,
        mesh=plsc.VectorSubcoreMesh(core_axis_name="c", subcore_axis_name="s"),
        compiler_params=pltpu.CompilerParams(
            needs_layout_passes=False, use_tc_tiling_on_sc=False),
        out_type=jax.ShapeDtypeStruct((_B,), jnp.float32),
        scratch_types=[
            pltpu.VMEM((_NCHUNK, _CHUNK), jnp.int32),
            pltpu.VMEM((_IPW, _D), jnp.float32),
            pltpu.VMEM((_BPW,), jnp.float32),
            pltpu.SemaphoreType.DMA,
        ],
    )(_dot_kernel)

    out = k(table, idx3)
    return out.reshape(_B, 1)

# --- scband reference (transcript-rebuilt; emitter-appended) ---
"""Pipeline reference for scband-negative-sampling-66348654788817 (READ-ONLY COPY).

The authoritative reference and input builder live on the scoring server;
editing this copy changes nothing except your own understanding.
"""

import jax, jax.numpy as jnp
import numpy as np

VOCAB = 1000000
EMBED_DIM = 16
BATCH = 16384

def setup_inputs(seed: int = 0) -> dict:
    key = jax.random.key(seed)
    k_idx, k_tab = jax.random.split(key)
    inputs = jax.random.randint(k_idx, (BATCH, 2), 0, VOCAB, dtype=jnp.int64 if jax.config.jax_enable_x64 else jnp.int32)
    table = jax.random.normal(k_tab, (VOCAB, EMBED_DIM), dtype=jnp.float32)
    return {"inputs": inputs, "table": table}

def reference(inputs, table):
    # torch: center, context = split(inputs, 1, dim=1)
    center = inputs[:, 0]
    context = inputs[:, 1]
    # embedding lookups (gather)
    embeds_cen = jnp.take(table, center, axis=0)  # [B, D]
    embeds_ctx = jnp.take(table, context, axis=0)  # [B, D]
    # bmm([B,1,D], [B,D,1]) -> [B,1,1] -> squeeze(1) -> [B,1]
    scores = jnp.sum(embeds_cen * embeds_ctx, axis=-1, keepdims=True)
    return scores

if __name__ == "__main__":
    import jax
    _d = setup_inputs()
    print(jax.jit(kernel)(*tuple(_d.values())))

</pallas_src>

<mosaic_0001>
#map = affine_map<(d0, d1) -> (0, 0)>
#map1 = affine_map<(d0, d1) -> (0, 0, 0)>
#map2 = affine_map<(d0, d1) -> (0)>
module attributes {stable_mosaic.version = 14 : i64} {
  func.func @_dot_kernel(%arg0: i32, %arg1: i32, %arg2: memref<1000000x16xf32, #tpu.memory_space<hbm>>, %arg3: memref<32x8x128xi32, #tpu.memory_space<hbm>>, %arg4: memref<16384xf32, #tpu.memory_space<hbm>>, %arg5: memref<8x128xi32, #tpu.memory_space<vmem>>, %arg6: memref<1024x16xf32, #tpu.memory_space<vmem>>, %arg7: memref<512xf32, #tpu.memory_space<vmem>>, %arg8: memref<!tpu.dma_semaphore, #tpu.memory_space<semaphore_mem>>) attributes {dimension_semantics = [#tpu.dimension_semantics<core_parallel>, #tpu.dimension_semantics<subcore_parallel>], iteration_bounds = array<i64: 2, 16>, scalar_prefetch = 0 : i64, scratch_operands = 4 : i64, tpu.core_type = #tpu.core_type<sc_vector_subcore>, window_params = [{transform_indices = #map}, {transform_indices = #map1}, {transform_indices = #map2}]} {
    %mul3A = arith.constant 2 : i32
    %mul3A_0 = arith.muli %arg1, %mul3A : i32
    %add3A = arith.addi %mul3A_0, %arg0 : i32
    %mul3A_1 = arith.constant 512 : i32
    %mul3A_2 = arith.muli %add3A, %mul3A_1 : i32
    "tpu.region"() ({
      %run_scoped3A = tpu.sem_alloc : memref<!tpu.dma_semaphore, #tpu.memory_space<semaphore_mem>>
      %dma_start3A_165 = arith.constant 0 : i32
      %dma_start3A_166 = arith.constant 0 : i32
      %dma_start3A_167 = tpu.memref_slice %arg3[%add3A, %dma_start3A_165, %dma_start3A_166] : memref<32x8x128xi32, #tpu.memory_space<hbm>> -> memref<1x8x128xi32, #tpu.memory_space<hbm>>
      %dma_start3A_168 = tpu.memref_squeeze %dma_start3A_167 : memref<1x8x128xi32, #tpu.memory_space<hbm>> -> memref<8x128xi32, #tpu.memory_space<hbm>>
      %dma_start3A_169 = arith.constant 0 : i32
      %dma_start3A_170 = arith.constant 0 : i32
      %dma_start3A_171 = tpu.memref_slice %arg3[%add3A, %dma_start3A_169, %dma_start3A_170] : memref<32x8x128xi32, #tpu.memory_space<hbm>> -> memref<1x8x128xi32, #tpu.memory_space<hbm>>
      %dma_start3A_172 = tpu.memref_squeeze %dma_start3A_171 : memref<1x8x128xi32, #tpu.memory_space<hbm>> -> memref<8x128xi32, #tpu.memory_space<hbm>>
      tpu.enqueue_dma source(%dma_start3A_172 : memref<8x128xi32, #tpu.memory_space<hbm>>) target(%arg5 : memref<8x128xi32, #tpu.memory_space<vmem>>) target_semaphore(%run_scoped3A : memref<!tpu.dma_semaphore, #tpu.memory_space<semaphore_mem>>)
      %dma_wait3A_173 = arith.constant 0 : i32
      %dma_wait3A_174 = arith.constant 0 : i32
      %dma_wait3A_175 = tpu.memref_slice %arg3[%add3A, %dma_wait3A_173, %dma_wait3A_174] : memref<32x8x128xi32, #tpu.memory_space<hbm>> -> memref<1x8x128xi32, #tpu.memory_space<hbm>>
      %dma_wait3A_176 = tpu.memref_squeeze %dma_wait3A_175 : memref<1x8x128xi32, #tpu.memory_space<hbm>> -> memref<8x128xi32, #tpu.memory_space<hbm>>
      %dma_wait3A_177 = arith.constant 0 : i32
      %dma_wait3A_178 = arith.constant 0 : i32
      %dma_wait3A_179 = tpu.memref_slice %arg3[%add3A, %dma_wait3A_177, %dma_wait3A_178] : memref<32x8x128xi32, #tpu.memory_space<hbm>> -> memref<1x8x128xi32, #tpu.memory_space<hbm>>
      %dma_wait3A_180 = tpu.memref_squeeze %dma_wait3A_179 : memref<1x8x128xi32, #tpu.memory_space<hbm>> -> memref<8x128xi32, #tpu.memory_space<hbm>>
      tpu.wait_dma2 semaphore(%run_scoped3A : memref<!tpu.dma_semaphore, #tpu.memory_space<semaphore_mem>>) src(%dma_wait3A_180 : memref<8x128xi32, #tpu.memory_space<hbm>>) dst(%arg5 : memref<8x128xi32, #tpu.memory_space<vmem>>)
      tpu.yield
    }) : () -> ()
    %dma_start3A = arith.constant 0 : i32
    %dma_start3A_3 = arith.constant 0 : i32
    %dma_start3A_4 = arith.constant 0 : i32
    %dma_start3A_5 = tpu.memref_slice %arg6[%dma_start3A_3, %dma_start3A_4] : memref<1024x16xf32, #tpu.memory_space<vmem>> -> memref<128x16xf32, #tpu.memory_space<vmem>>
    %dma_start3A_6 = arith.constant 0 : i32
    %dma_start3A_7 = tpu.memref_slice %arg5[%dma_start3A, %dma_start3A_6] : memref<8x128xi32, #tpu.memory_space<vmem>> -> memref<1x128xi32, #tpu.memory_space<vmem>>
    %dma_start3A_8 = tpu.memref_squeeze %dma_start3A_7 : memref<1x128xi32, #tpu.memory_space<vmem>> -> memref<128xi32, #tpu.memory_space<vmem>>
    %dma_start3A_9 = arith.constant 0 : i32
    %dma_start3A_10 = arith.constant 0 : i32
    %dma_start3A_11 = tpu.memref_slice %arg2[%dma_start3A_9, %dma_start3A_10] : memref<1000000x16xf32, #tpu.memory_space<hbm>> -> memref<1000000x16xf32, #tpu.memory_space<hbm>>
    tpu.enqueue_indirect_dma source(%dma_start3A_11 : memref<1000000x16xf32, #tpu.memory_space<hbm>>) target(%dma_start3A_5 : memref<128x16xf32, #tpu.memory_space<vmem>>) offsets(%dma_start3A_8 : memref<128xi32, #tpu.memory_space<vmem>>) semaphore(%arg8 : memref<!tpu.dma_semaphore, #tpu.memory_space<semaphore_mem>>)
    %dma_start3A_12 = arith.constant 1 : i32
    %dma_start3A_13 = arith.constant 128 : i32
    %dma_start3A_14 = arith.constant 0 : i32
    %dma_start3A_15 = tpu.memref_slice %arg6[%dma_start3A_13, %dma_start3A_14] : memref<1024x16xf32, #tpu.memory_space<vmem>> -> memref<128x16xf32, #tpu.memory_space<vmem>>
    %dma_start3A_16 = arith.constant 0 : i32
    %dma_start3A_17 = tpu.memref_slice %arg5[%dma_start3A_12, %dma_start3A_16] : memref<8x128xi32, #tpu.memory_space<vmem>> -> memref<1x128xi32, #tpu.memory_space<vmem>>
    %dma_start3A_18 = tpu.memref_squeeze %dma_start3A_17 : memref<1x128xi32, #tpu.memory_space<vmem>> -> memref<128xi32, #tpu.memory_space<vmem>>
    %dma_start3A_19 = arith.constant 0 : i32
    %dma_start3A_20 = arith.constant 0 : i32
    %dma_start3A_21 = tpu.memref_slice %arg2[%dma_start3A_19, %dma_start3A_20] : memref<1000000x16xf32, #tpu.memory_space<hbm>> -> memref<1000000x16xf32, #tpu.memory_space<hbm>>
    tpu.enqueue_indirect_dma source(%dma_start3A_21 : memref<1000000x16xf32, #tpu.memory_space<hbm>>) target(%dma_start3A_15 : memref<128x16xf32, #tpu.memory_space<vmem>>) offsets(%dma_start3A_18 : memref<128xi32, #tpu.memory_space<vmem>>) semaphore(%arg8 : memref<!tpu.dma_semaphore, #tpu.memory_space<semaphore_mem>>)
    %dma_start3A_22 = arith.constant 2 : i32
    %dma_start3A_23 = arith.constant 256 : i32
    %dma_start3A_24 = arith.constant 0 : i32
    %dma_start3A_25 = tpu.memref_slice %arg6[%dma_start3A_23, %dma_start3A_24] : memref<1024x16xf32, #tpu.memory_space<vmem>> -> memref<128x16xf32, #tpu.memory_space<vmem>>
    %dma_start3A_26 = arith.constant 0 : i32
    %dma_start3A_27 = tpu.memref_slice %arg5[%dma_start3A_22, %dma_start3A_26] : memref<8x128xi32, #tpu.memory_space<vmem>> -> memref<1x128xi32, #tpu.memory_space<vmem>>
    %dma_start3A_28 = tpu.memref_squeeze %dma_start3A_27 : memref<1x128xi32, #tpu.memory_space<vmem>> -> memref<128xi32, #tpu.memory_space<vmem>>
    %dma_start3A_29 = arith.constant 0 : i32
    %dma_start3A_30 = arith.constant 0 : i32
    %dma_start3A_31 = tpu.memref_slice %arg2[%dma_start3A_29, %dma_start3A_30] : memref<1000000x16xf32, #tpu.memory_space<hbm>> -> memref<1000000x16xf32, #tpu.memory_space<hbm>>
    tpu.enqueue_indirect_dma source(%dma_start3A_31 : memref<1000000x16xf32, #tpu.memory_space<hbm>>) target(%dma_start3A_25 : memref<128x16xf32, #tpu.memory_space<vmem>>) offsets(%dma_start3A_28 : memref<128xi32, #tpu.memory_space<vmem>>) semaphore(%arg8 : memref<!tpu.dma_semaphore, #tpu.memory_space<semaphore_mem>>)
    %dma_start3A_32 = arith.constant 3 : i32
    %dma_start3A_33 = arith.constant 384 : i32
    %dma_start3A_34 = arith.constant 0 : i32
    %dma_start3A_35 = tpu.memref_slice %arg6[%dma_start3A_33, %dma_start3A_34] : memref<1024x16xf32, #tpu.memory_space<vmem>> -> memref<128x16xf32, #tpu.memory_space<vmem>>
    %dma_start3A_36 = arith.constant 0 : i32
    %dma_start3A_37 = tpu.memref_slice %arg5[%dma_start3A_32, %dma_start3A_36] : memref<8x128xi32, #tpu.memory_space<vmem>> -> memref<1x128xi32, #tpu.memory_space<vmem>>
    %dma_start3A_38 = tpu.memref_squeeze %dma_start3A_37 : memref<1x128xi32, #tpu.memory_space<vmem>> -> memref<128xi32, #tpu.memory_space<vmem>>
    %dma_start3A_39 = arith.constant 0 : i32
    %dma_start3A_40 = arith.constant 0 : i32
    %dma_start3A_41 = tpu.memref_slice %arg2[%dma_start3A_39, %dma_start3A_40] : memref<1000000x16xf32, #tpu.memory_space<hbm>> -> memref<1000000x16xf32, #tpu.memory_space<hbm>>
    tpu.enqueue_indirect_dma source(%dma_start3A_41 : memref<1000000x16xf32, #tpu.memory_space<hbm>>) target(%dma_start3A_35 : memref<128x16xf32, #tpu.memory_space<vmem>>) offsets(%dma_start3A_38 : memref<128xi32, #tpu.memory_space<vmem>>) semaphore(%arg8 : memref<!tpu.dma_semaphore, #tpu.memory_space<semaphore_mem>>)
    %dma_start3A_42 = arith.constant 4 : i32
    %dma_start3A_43 = arith.constant 512 : i32
    %dma_start3A_44 = arith.constant 0 : i32
    %dma_start3A_45 = tpu.memref_slice %arg6[%dma_start3A_43, %dma_start3A_44] : memref<1024x16xf32, #tpu.memory_space<vmem>> -> memref<128x16xf32, #tpu.memory_space<vmem>>
    %dma_start3A_46 = arith.constant 0 : i32
    %dma_start3A_47 = tpu.memref_slice %arg5[%dma_start3A_42, %dma_start3A_46] : memref<8x128xi32, #tpu.memory_space<vmem>> -> memref<1x128xi32, #tpu.memory_space<vmem>>
    %dma_start3A_48 = tpu.memref_squeeze %dma_start3A_47 : memref<1x128xi32, #tpu.memory_space<vmem>> -> memref<128xi32, #tpu.memory_space<vmem>>
    %dma_start3A_49 = arith.constant 0 : i32
    %dma_start3A_50 = arith.constant 0 : i32
    %dma_start3A_51 = tpu.memref_slice %arg2[%dma_start3A_49, %dma_start3A_50] : memref<1000000x16xf32, #tpu.memory_space<hbm>> -> memref<1000000x16xf32, #tpu.memory_space<hbm>>
    tpu.enqueue_indirect_dma source(%dma_start3A_51 : memref<1000000x16xf32, #tpu.memory_space<hbm>>) target(%dma_start3A_45 : memref<128x16xf32, #tpu.memory_space<vmem>>) offsets(%dma_start3A_48 : memref<128xi32, #tpu.memory_space<vmem>>) semaphore(%arg8 : memref<!tpu.dma_semaphore, #tpu.memory_space<semaphore_mem>>)
    %dma_start3A_52 = arith.constant 5 : i32
    %dma_start3A_53 = arith.constant 640 : i32
    %dma_start3A_54 = arith.constant 0 : i32
    %dma_start3A_55 = tpu.memref_slice %arg6[%dma_start3A_53, %dma_start3A_54] : memref<1024x16xf32, #tpu.memory_space<vmem>> -> memref<128x16xf32, #tpu.memory_space<vmem>>
    %dma_start3A_56 = arith.constant 0 : i32
    %dma_start3A_57 = tpu.memref_slice %arg5[%dma_start3A_52, %dma_start3A_56] : memref<8x128xi32, #tpu.memory_space<vmem>> -> memref<1x128xi32, #tpu.memory_space<vmem>>
    %dma_start3A_58 = tpu.memref_squeeze %dma_start3A_57 : memref<1x128xi32, #tpu.memory_space<vmem>> -> memref<128xi32, #tpu.memory_space<vmem>>
    %dma_start3A_59 = arith.constant 0 : i32
    %dma_start3A_60 = arith.constant 0 : i32
    %dma_start3A_61 = tpu.memref_slice %arg2[%dma_start3A_59, %dma_start3A_60] : memref<1000000x16xf32, #tpu.memory_space<hbm>> -> memref<1000000x16xf32, #tpu.memory_space<hbm>>
    tpu.enqueue_indirect_dma source(%dma_start3A_61 : memref<1000000x16xf32, #tpu.memory_space<hbm>>) target(%dma_start3A_55 : memref<128x16xf32, #tpu.memory_space<vmem>>) offsets(%dma_start3A_58 : memref<128xi32, #tpu.memory_space<vmem>>) semaphore(%arg8 : memref<!tpu.dma_semaphore, #tpu.memory_space<semaphore_mem>>)
    %dma_start3A_62 = arith.constant 6 : i32
    %dma_start3A_63 = arith.constant 768 : i32
    %dma_start3A_64 = arith.constant 0 : i32
    %dma_start3A_65 = tpu.memref_slice %arg6[%dma_start3A_63, %dma_start3A_64] : memref<1024x16xf32, #tpu.memory_space<vmem>> -> memref<128x16xf32, #tpu.memory_space<vmem>>
    %dma_start3A_66 = arith.constant 0 : i32
    %dma_start3A_67 = tpu.memref_slice %arg5[%dma_start3A_62, %dma_start3A_66] : memref<8x128xi32, #tpu.memory_space<vmem>> -> memref<1x128xi32, #tpu.memory_space<vmem>>
    %dma_start3A_68 = tpu.memref_squeeze %dma_start3A_67 : memref<1x128xi32, #tpu.memory_space<vmem>> -> memref<128xi32, #tpu.memory_space<vmem>>
    %dma_start3A_69 = arith.constant 0 : i32
    %dma_start3A_70 = arith.constant 0 : i32
    %dma_start3A_71 = tpu.memref_slice %arg2[%dma_start3A_69, %dma_start3A_70] : memref<1000000x16xf32, #tpu.memory_space<hbm>> -> memref<1000000x16xf32, #tpu.memory_space<hbm>>
    tpu.enqueue_indirect_dma source(%dma_start3A_71 : memref<1000000x16xf32, #tpu.memory_space<hbm>>) target(%dma_start3A_65 : memref<128x16xf32, #tpu.memory_space<vmem>>) offsets(%dma_start3A_68 : memref<128xi32, #tpu.memory_space<vmem>>) semaphore(%arg8 : memref<!tpu.dma_semaphore, #tpu.memory_space<semaphore_mem>>)
    %dma_start3A_72 = arith.constant 7 : i32
    %dma_start3A_73 = arith.constant 896 : i32
    %dma_start3A_74 = arith.constant 0 : i32
    %dma_start3A_75 = tpu.memref_slice %arg6[%dma_start3A_73, %dma_start3A_74] : memref<1024x16xf32, #tpu.memory_space<vmem>> -> memref<128x16xf32, #tpu.memory_space<vmem>>
    %dma_start3A_76 = arith.constant 0 : i32
    %dma_start3A_77 = tpu.memref_slice %arg5[%dma_start3A_72, %dma_start3A_76] : memref<8x128xi32, #tpu.memory_space<vmem>> -> memref<1x128xi32, #tpu.memory_space<vmem>>
    %dma_start3A_78 = tpu.memref_squeeze %dma_start3A_77 : memref<1x128xi32, #tpu.memory_space<vmem>> -> memref<128xi32, #tpu.memory_space<vmem>>
    %dma_start3A_79 = arith.constant 0 : i32
    %dma_start3A_80 = arith.constant 0 : i32
    %dma_start3A_81 = tpu.memref_slice %arg2[%dma_start3A_79, %dma_start3A_80] : memref<1000000x16xf32, #tpu.memory_space<hbm>> -> memref<1000000x16xf32, #tpu.memory_space<hbm>>
    tpu.enqueue_indirect_dma source(%dma_start3A_81 : memref<1000000x16xf32, #tpu.memory_space<hbm>>) target(%dma_start3A_75 : memref<128x16xf32, #tpu.memory_space<vmem>>) offsets(%dma_start3A_78 : memref<128xi32, #tpu.memory_space<vmem>>) semaphore(%arg8 : memref<!tpu.dma_semaphore, #tpu.memory_space<semaphore_mem>>)
    %dma_wait3A = arith.constant 0 : i32
    %dma_wait3A_82 = arith.constant 0 : i32
    %dma_wait3A_83 = arith.constant 0 : i32
    %dma_wait3A_84 = tpu.memref_slice %arg6[%dma_wait3A_82, %dma_wait3A_83] : memref<1024x16xf32, #tpu.memory_space<vmem>> -> memref<128x16xf32, #tpu.memory_space<vmem>>
    %dma_wait3A_85 = arith.constant 0 : i32
    %dma_wait3A_86 = tpu.memref_slice %arg5[%dma_wait3A, %dma_wait3A_85] : memref<8x128xi32, #tpu.memory_space<vmem>> -> memref<1x128xi32, #tpu.memory_space<vmem>>
    %dma_wait3A_87 = tpu.memref_squeeze %dma_wait3A_86 : memref<1x128xi32, #tpu.memory_space<vmem>> -> memref<128xi32, #tpu.memory_space<vmem>>
    %dma_wait3A_88 = arith.constant 0 : i32
    %dma_wait3A_89 = arith.constant 0 : i32
    %dma_wait3A_90 = tpu.memref_slice %arg2[%dma_wait3A_88, %dma_wait3A_89] : memref<1000000x16xf32, #tpu.memory_space<hbm>> -> memref<1000000x16xf32, #tpu.memory_space<hbm>>
    tpu.wait_indirect_dma semaphore(%arg8 : memref<!tpu.dma_semaphore, #tpu.memory_space<semaphore_mem>>) src(%dma_wait3A_90 : memref<1000000x16xf32, #tpu.memory_space<hbm>>) dst(%dma_wait3A_84 : memref<128x16xf32, #tpu.memory_space<vmem>>)
    %dma_wait3A_91 = arith.constant 1 : i32
    %dma_wait3A_92 = arith.constant 128 : i32
    %dma_wait3A_93 = arith.constant 0 : i32
    %dma_wait3A_94 = tpu.memref_slice %arg6[%dma_wait3A_92, %dma_wait3A_93] : memref<1024x16xf32, #tpu.memory_space<vmem>> -> memref<128x16xf32, #tpu.memory_space<vmem>>
    %dma_wait3A_95 = arith.constant 0 : i32
    %dma_wait3A_96 = tpu.memref_slice %arg5[%dma_wait3A_91, %dma_wait3A_95] : memref<8x128xi32, #tpu.memory_space<vmem>> -> memref<1x128xi32, #tpu.memory_space<vmem>>
    %dma_wait3A_97 = tpu.memref_squeeze %dma_wait3A_96 : memref<1x128xi32, #tpu.memory_space<vmem>> -> memref<128xi32, #tpu.memory_space<vmem>>
    %dma_wait3A_98 = arith.constant 0 : i32
    %dma_wait3A_99 = arith.constant 0 : i32
    %dma_wait3A_100 = tpu.memref_slice %arg2[%dma_wait3A_98, %dma_wait3A_99] : memref<1000000x16xf32, #tpu.memory_space<hbm>> -> memref<1000000x16xf32, #tpu.memory_space<hbm>>
    tpu.wait_indirect_dma semaphore(%arg8 : memref<!tpu.dma_semaphore, #tpu.memory_space<semaphore_mem>>) src(%dma_wait3A_100 : memref<1000000x16xf32, #tpu.memory_space<hbm>>) dst(%dma_wait3A_94 : memref<128x16xf32, #tpu.memory_space<vmem>>)
    %dma_wait3A_101 = arith.constant 2 : i32
    %dma_wait3A_102 = arith.constant 256 : i32
    %dma_wait3A_103 = arith.constant 0 : i32
    %dma_wait3A_104 = tpu.memref_slice %arg6[%dma_wait3A_102, %dma_wait3A_103] : memref<1024x16xf32, #tpu.memory_space<vmem>> -> memref<128x16xf32, #tpu.memory_space<vmem>>
    %dma_wait3A_105 = arith.constant 0 : i32
    %dma_wait3A_106 = tpu.memref_slice %arg5[%dma_wait3A_101, %dma_wait3A_105] : memref<8x128xi32, #tpu.memory_space<vmem>> -> memref<1x128xi32, #tpu.memory_space<vmem>>
    %dma_wait3A_107 = tpu.memref_squeeze %dma_wait3A_106 : memref<1x128xi32, #tpu.memory_space<vmem>> -> memref<128xi32, #tpu.memory_space<vmem>>
    %dma_wait3A_108 = arith.constant 0 : i32
    %dma_wait3A_109 = arith.constant 0 : i32
    %dma_wait3A_110 = tpu.memref_slice %arg2[%dma_wait3A_108, %dma_wait3A_109] : memref<1000000x16xf32, #tpu.memory_space<hbm>> -> memref<1000000x16xf32, #tpu.memory_space<hbm>>
    tpu.wait_indirect_dma semaphore(%arg8 : memref<!tpu.dma_semaphore, #tpu.memory_space<semaphore_mem>>) src(%dma_wait3A_110 : memref<1000000x16xf32, #tpu.memory_space<hbm>>) dst(%dma_wait3A_104 : memref<128x16xf32, #tpu.memory_space<vmem>>)
    %dma_wait3A_111 = arith.constant 3 : i32
    %dma_wait3A_112 = arith.constant 384 : i32
    %dma_wait3A_113 = arith.constant 0 : i32
    %dma_wait3A_114 = tpu.memref_slice %arg6[%dma_wait3A_112, %dma_wait3A_113] : memref<1024x16xf32, #tpu.memory_space<vmem>> -> memref<128x16xf32, #tpu.memory_space<vmem>>
    %dma_wait3A_115 = arith.constant 0 : i32
    %dma_wait3A_116 = tpu.memref_slice %arg5[%dma_wait3A_111, %dma_wait3A_115] : memref<8x128xi32, #tpu.memory_space<vmem>> -> memref<1x128xi32, #tpu.memory_space<vmem>>
    %dma_wait3A_117 = tpu.memref_squeeze %dma_wait3A_116 : memref<1x128xi32, #tpu.memory_space<vmem>> -> memref<128xi32, #tpu.memory_space<vmem>>
    %dma_wait3A_118 = arith.constant 0 : i32
    %dma_wait3A_119 = arith.constant 0 : i32
    %dma_wait3A_120 = tpu.memref_slice %arg2[%dma_wait3A_118, %dma_wait3A_119] : memref<1000000x16xf32, #tpu.memory_space<hbm>> -> memref<1000000x16xf32, #tpu.memory_space<hbm>>
    tpu.wait_indirect_dma semaphore(%arg8 : memref<!tpu.dma_semaphore, #tpu.memory_space<semaphore_mem>>) src(%dma_wait3A_120 : memref<1000000x16xf32, #tpu.memory_space<hbm>>) dst(%dma_wait3A_114 : memref<128x16xf32, #tpu.memory_space<vmem>>)
    %dma_wait3A_121 = arith.constant 4 : i32
    %dma_wait3A_122 = arith.constant 512 : i32
    %dma_wait3A_123 = arith.constant 0 : i32
    %dma_wait3A_124 = tpu.memref_slice %arg6[%dma_wait3A_122, %dma_wait3A_123] : memref<1024x16xf32, #tpu.memory_space<vmem>> -> memref<128x16xf32, #tpu.memory_space<vmem>>
    %dma_wait3A_125 = arith.constant 0 : i32
    %dma_wait3A_126 = tpu.memref_slice %arg5[%dma_wait3A_121, %dma_wait3A_125] : memref<8x128xi32, #tpu.memory_space<vmem>> -> memref<1x128xi32, #tpu.memory_space<vmem>>
    %dma_wait3A_127 = tpu.memref_squeeze %dma_wait3A_126 : memref<1x128xi32, #tpu.memory_space<vmem>> -> memref<128xi32, #tpu.memory_space<vmem>>
    %dma_wait3A_128 = arith.constant 0 : i32
    %dma_wait3A_129 = arith.constant 0 : i32
    %dma_wait3A_130 = tpu.memref_slice %arg2[%dma_wait3A_128, %dma_wait3A_129] : memref<1000000x16xf32, #tpu.memory_space<hbm>> -> memref<1000000x16xf32, #tpu.memory_space<hbm>>
    tpu.wait_indirect_dma semaphore(%arg8 : memref<!tpu.dma_semaphore, #tpu.memory_space<semaphore_mem>>) src(%dma_wait3A_130 : memref<1000000x16xf32, #tpu.memory_space<hbm>>) dst(%dma_wait3A_124 : memref<128x16xf32, #tpu.memory_space<vmem>>)
    %dma_wait3A_131 = arith.constant 5 : i32
    %dma_wait3A_132 = arith.constant 640 : i32
    %dma_wait3A_133 = arith.constant 0 : i32
    %dma_wait3A_134 = tpu.memref_slice %arg6[%dma_wait3A_132, %dma_wait3A_133] : memref<1024x16xf32, #tpu.memory_space<vmem>> -> memref<128x16xf32, #tpu.memory_space<vmem>>
    %dma_wait3A_135 = arith.constant 0 : i32
    %dma_wait3A_136 = tpu.memref_slice %arg5[%dma_wait3A_131, %dma_wait3A_135] : memref<8x128xi32, #tpu.memory_space<vmem>> -> memref<1x128xi32, #tpu.memory_space<vmem>>
    %dma_wait3A_137 = tpu.memref_squeeze %dma_wait3A_136 : memref<1x128xi32, #tpu.memory_space<vmem>> -> memref<128xi32, #tpu.memory_space<vmem>>
    %dma_wait3A_138 = arith.constant 0 : i32
    %dma_wait3A_139 = arith.constant 0 : i32
    %dma_wait3A_140 = tpu.memref_slice %arg2[%dma_wait3A_138, %dma_wait3A_139] : memref<1000000x16xf32, #tpu.memory_space<hbm>> -> memref<1000000x16xf32, #tpu.memory_space<hbm>>
    tpu.wait_indirect_dma semaphore(%arg8 : memref<!tpu.dma_semaphore, #tpu.memory_space<semaphore_mem>>) src(%dma_wait3A_140 : memref<1000000x16xf32, #tpu.memory_space<hbm>>) dst(%dma_wait3A_134 : memref<128x16xf32, #tpu.memory_space<vmem>>)
    %dma_wait3A_141 = arith.constant 6 : i32
    %dma_wait3A_142 = arith.constant 768 : i32
    %dma_wait3A_143 = arith.constant 0 : i32
    %dma_wait3A_144 = tpu.memref_slice %arg6[%dma_wait3A_142, %dma_wait3A_143] : memref<1024x16xf32, #tpu.memory_space<vmem>> -> memref<128x16xf32, #tpu.memory_space<vmem>>
    %dma_wait3A_145 = arith.constant 0 : i32
    %dma_wait3A_146 = tpu.memref_slice %arg5[%dma_wait3A_141, %dma_wait3A_145] : memref<8x128xi32, #tpu.memory_space<vmem>> -> memref<1x128xi32, #tpu.memory_space<vmem>>
    %dma_wait3A_147 = tpu.memref_squeeze %dma_wait3A_146 : memref<1x128xi32, #tpu.memory_space<vmem>> -> memref<128xi32, #tpu.memory_space<vmem>>
    %dma_wait3A_148 = arith.constant 0 : i32
    %dma_wait3A_149 = arith.constant 0 : i32
    %dma_wait3A_150 = tpu.memref_slice %arg2[%dma_wait3A_148, %dma_wait3A_149] : memref<1000000x16xf32, #tpu.memory_space<hbm>> -> memref<1000000x16xf32, #tpu.memory_space<hbm>>
    tpu.wait_indirect_dma semaphore(%arg8 : memref<!tpu.dma_semaphore, #tpu.memory_space<semaphore_mem>>) src(%dma_wait3A_150 : memref<1000000x16xf32, #tpu.memory_space<hbm>>) dst(%dma_wait3A_144 : memref<128x16xf32, #tpu.memory_space<vmem>>)
    %dma_wait3A_151 = arith.constant 7 : i32
    %dma_wait3A_152 = arith.constant 896 : i32
    %dma_wait3A_153 = arith.constant 0 : i32
    %dma_wait3A_154 = tpu.memref_slice %arg6[%dma_wait3A_152, %dma_wait3A_153] : memref<1024x16xf32, #tpu.memory_space<vmem>> -> memref<128x16xf32, #tpu.memory_space<vmem>>
    %dma_wait3A_155 = arith.constant 0 : i32
    %dma_wait3A_156 = tpu.memref_slice %arg5[%dma_wait3A_151, %dma_wait3A_155] : memref<8x128xi32, #tpu.memory_space<vmem>> -> memref<1x128xi32, #tpu.memory_space<vmem>>
    %dma_wait3A_157 = tpu.memref_squeeze %dma_wait3A_156 : memref<1x128xi32, #tpu.memory_space<vmem>> -> memref<128xi32, #tpu.memory_space<vmem>>
    %dma_wait3A_158 = arith.constant 0 : i32
    %dma_wait3A_159 = arith.constant 0 : i32
    %dma_wait3A_160 = tpu.memref_slice %arg2[%dma_wait3A_158, %dma_wait3A_159] : memref<1000000x16xf32, #tpu.memory_space<hbm>> -> memref<1000000x16xf32, #tpu.memory_space<hbm>>
    tpu.wait_indirect_dma semaphore(%arg8 : memref<!tpu.dma_semaphore, #tpu.memory_space<semaphore_mem>>) src(%dma_wait3A_160 : memref<1000000x16xf32, #tpu.memory_space<hbm>>) dst(%dma_wait3A_154 : memref<128x16xf32, #tpu.memory_space<vmem>>)
    %iota3A = tpu.iota {dimensions = array<i32: 0>} : vector<16xi32>
    %scan3A = arith.constant 0 : i32
    %scan3A_161 = arith.constant 32 : i32
    %scan3A_162 = arith.addi %scan3A, %scan3A_161 : i32
    %scan3A_163 = arith.constant 1 : i32
    scf.for %scan3A_165 = %scan3A to %scan3A_162 step %scan3A_163  : i32 {
      %broadcast_in_dim3A = arith.constant 0.000000e+00 : f32
      %broadcast_in_dim3A_166 = vector.broadcast %broadcast_in_dim3A : f32 to vector<16xf32>
      %mul3A_167 = arith.constant 16 : i32
      %mul3A_168 = arith.muli %scan3A_165, %mul3A_167 : i32
      %add3A_169 = arith.constant 0 : i32
      %add3A_170 = arith.addi %mul3A_168, %add3A_169 : i32
      %mul3A_171 = arith.constant 2 : i32
      %mul3A_172 = arith.muli %mul3A_171, %add3A_170 : i32
      %get3A = arith.index_cast %mul3A_172 : i32 to index
      %get3A_173 = arith.constant 0 : index
      %get3A_174 = tpu.vector_load %arg6[%get3A, %get3A_173] {strides = array<i32>} : memref<1024x16xf32, #tpu.memory_space<vmem>>, vector<16xf32>,
      %add3A_175 = arith.constant 1 : i32
      %add3A_176 = arith.addi %mul3A_172, %add3A_175 : i32
      %get3A_177 = arith.index_cast %add3A_176 : i32 to index
      %get3A_178 = arith.constant 0 : index
      %get3A_179 = tpu.vector_load %arg6[%get3A_177, %get3A_178] {strides = array<i32>} : memref<1024x16xf32, #tpu.memory_space<vmem>>, vector<16xf32>,
      %mul3A_180 = arith.mulf %get3A_174, %get3A_179 : vector<16xf32>
      %reduce_sum3A = arith.constant true
      %reduce_sum3A_181 = vector.broadcast %reduce_sum3A : i1 to vector<16xi1>
      %reduce_sum3A_182 = tpu.scan <sum>, %mul3A_180 masked %reduce_sum3A_181 : vector<16xf32>, vector<16xi1> -> vector<16xf32>
      %reduce_sum3A_183 = vector.extract %reduce_sum3A_182[15] : f32 from vector<16xf32>
      %eq3A = arith.constant 0 : i32
      %eq3A_184 = vector.broadcast %eq3A : i32 to vector<16xi32>
      %eq3A_185 = arith.cmpi eq, %iota3A, %eq3A_184 : vector<16xi32>
      %broadcast_in_dim3A_186 = vector.broadcast %reduce_sum3A_183 : f32 to vector<16xf32>
      %select_n3A = arith.select %eq3A_185, %broadcast_in_dim3A_186, %broadcast_in_dim3A_166 : vector<16xi1>, vector<16xf32>
      %mul3A_187 = arith.constant 16 : i32
      %mul3A_188 = arith.muli %scan3A_165, %mul3A_187 : i32
      %add3A_189 = arith.constant 1 : i32
      %add3A_190 = arith.addi %mul3A_188, %add3A_189 : i32
      %mul3A_191 = arith.constant 2 : i32
      %mul3A_192 = arith.muli %mul3A_191, %add3A_190 : i32
      %get3A_193 = arith.index_cast %mul3A_192 : i32 to index
      %get3A_194 = arith.constant 0 : index
      %get3A_195 = tpu.vector_load %arg6[%get3A_193, %get3A_194] {strides = array<i32>} : memref<1024x16xf32, #tpu.memory_space<vmem>>, vector<16xf32>,
      %add3A_196 = arith.constant 1 : i32
      %add3A_197 = arith.addi %mul3A_192, %add3A_196 : i32
      %get3A_198 = arith.index_cast %add3A_197 : i32 to index
      %get3A_199 = arith.constant 0 : index
      %get3A_200 = tpu.vector_load %arg6[%get3A_198, %get3A_199] {strides = array<i32>} : memref<1024x16xf32, #tpu.memory_space<vmem>>, vector<16xf32>,
      %mul3A_201 = arith.mulf %get3A_195, %get3A_200 : vector<16xf32>
      %reduce_sum3A_202 = arith.constant true
      %reduce_sum3A_203 = vector.broadcast %reduce_sum3A_202 : i1 to vector<16xi1>
      %reduce_sum3A_204 = tpu.scan <sum>, %mul3A_201 masked %reduce_sum3A_203 : vector<16xf32>, vector<16xi1> -> vector<16xf32>
      %reduce_sum3A_205 = vector.extract %reduce_sum3A_204[15] : f32 from vector<16xf32>
      %eq3A_206 = arith.constant 1 : i32
      %eq3A_207 = vector.broadcast %eq3A_206 : i32 to vector<16xi32>
      %eq3A_208 = arith.cmpi eq, %iota3A, %eq3A_207 : vector<16xi32>
      %broadcast_in_dim3A_209 = vector.broadcast %reduce_sum3A_205 : f32 to vector<16xf32>
      %select_n3A_210 = arith.select %eq3A_208, %broadcast_in_dim3A_209, %select_n3A : vector<16xi1>, vector<16xf32>
      %mul3A_211 = arith.constant 16 : i32
      %mul3A_212 = arith.muli %scan3A_165, %mul3A_211 : i32
      %add3A_213 = arith.constant 2 : i32
      %add3A_214 = arith.addi %mul3A_212, %add3A_213 : i32
      %mul3A_215 = arith.constant 2 : i32
      %mul3A_216 = arith.muli %mul3A_215, %add3A_214 : i32
      %get3A_217 = arith.index_cast %mul3A_216 : i32 to index
      %get3A_218 = arith.constant 0 : index
      %get3A_219 = tpu.vector_load %arg6[%get3A_217, %get3A_218] {strides = array<i32>} : memref<1024x16xf32, #tpu.memory_space<vmem>>, vector<16xf32>,
      %add3A_220 = arith.constant 1 : i32
      %add3A_221 = arith.addi %mul3A_216, %add3A_220 : i32
      %get3A_222 = arith.index_cast %add3A_221 : i32 to index
      %get3A_223 = arith.constant 0 : index
      %get3A_224 = tpu.vector_load %arg6[%get3A_222, %get3A_223] {strides = array<i32>} : memref<1024x16xf32, #tpu.memory_space<vmem>>, vector<16xf32>,
      %mul3A_225 = arith.mulf %get3A_219, %get3A_224 : vector<16xf32>
      %reduce_sum3A_226 = arith.constant true
      %reduce_sum3A_227 = vector.broadcast %reduce_sum3A_226 : i1 to vector<16xi1>
      %reduce_sum3A_228 = tpu.scan <sum>, %mul3A_225 masked %reduce_sum3A_227 : vector<16xf32>, vector<16xi1> -> vector<16xf32>
      %reduce_sum3A_229 = vector.extract %reduce_sum3A_228[15] : f32 from vector<16xf32>
      %eq3A_230 = arith.constant 2 : i32
      %eq3A_231 = vector.broadcast %eq3A_230 : i32 to vector<16xi32>
      %eq3A_232 = arith.cmpi eq, %iota3A, %eq3A_231 : vector<16xi32>
      %broadcast_in_dim3A_233 = vector.broadcast %reduce_sum3A_229 : f32 to vector<16xf32>
      %select_n3A_234 = arith.select %eq3A_232, %broadcast_in_dim3A_233, %select_n3A_210 : vector<16xi1>, vector<16xf32>
      %mul3A_235 = arith.constant 16 : i32
      %mul3A_236 = arith.muli %scan3A_165, %mul3A_235 : i32
      %add3A_237 = arith.constant 3 : i32
      %add3A_238 = arith.addi %mul3A_236, %add3A_237 : i32
      %mul3A_239 = arith.constant 2 : i32
      %mul3A_240 = arith.muli %mul3A_239, %add3A_238 : i32
      %get3A_241 = arith.index_cast %mul3A_240 : i32 to index
      %get3A_242 = arith.constant 0 : index
      %get3A_243 = tpu.vector_load %arg6[%get3A_241, %get3A_242] {strides = array<i32>} : memref<1024x16xf32, #tpu.memory_space<vmem>>, vector<16xf32>,
      %add3A_244 = arith.constant 1 : i32
      %add3A_245 = arith.addi %mul3A_240, %add3A_244 : i32
      %get3A_246 = arith.index_cast %add3A_245 : i32 to index
      %get3A_247 = arith.constant 0 : index
      %get3A_248 = tpu.vector_load %arg6[%get3A_246, %get3A_247] {strides = array<i32>} : memref<1024x16xf32, #tpu.memory_space<vmem>>, vector<16xf32>,
      %mul3A_249 = arith.mulf %get3A_243, %get3A_248 : vector<16xf32>
      %reduce_sum3A_250 = arith.constant true
      %reduce_sum3A_251 = vector.broadcast %reduce_sum3A_250 : i1 to vector<16xi1>
      %reduce_sum3A_252 = tpu.scan <sum>, %mul3A_249 masked %reduce_sum3A_251 : vector<16xf32>, vector<16xi1> -> vector<16xf32>
      %reduce_sum3A_253 = vector.extract %reduce_sum3A_252[15] : f32 from vector<16xf32>
      %eq3A_254 = arith.constant 3 : i32
      %eq3A_255 = vector.broadcast %eq3A_254 : i32 to vector<16xi32>
      %eq3A_256 = arith.cmpi eq, %iota3A, %eq3A_255 : vector<16xi32>
      %broadcast_in_dim3A_257 = vector.broadcast %reduce_sum3A_253 : f32 to vector<16xf32>
      %select_n3A_258 = arith.select %eq3A_256, %broadcast_in_dim3A_257, %select_n3A_234 : vector<16xi1>, vector<16xf32>
      %mul3A_259 = arith.constant 16 : i32
      %mul3A_260 = arith.muli %scan3A_165, %mul3A_259 : i32
      %add3A_261 = arith.constant 4 : i32
      %add3A_262 = arith.addi %mul3A_260, %add3A_261 : i32
      %mul3A_263 = arith.constant 2 : i32
      %mul3A_264 = arith.muli %mul3A_263, %add3A_262 : i32
      %get3A_265 = arith.index_cast %mul3A_264 : i32 to index
      %get3A_266 = arith.constant 0 : index
      %get3A_267 = tpu.vector_load %arg6[%get3A_265, %get3A_266] {strides = array<i32>} : memref<1024x16xf32, #tpu.memory_space<vmem>>, vector<16xf32>,
      %add3A_268 = arith.constant 1 : i32
      %add3A_269 = arith.addi %mul3A_264, %add3A_268 : i32
      %get3A_270 = arith.index_cast %add3A_269 : i32 to index
      %get3A_271 = arith.constant 0 : index
      %get3A_272 = tpu.vector_load %arg6[%get3A_270, %get3A_271] {strides = array<i32>} : memref<1024x16xf32, #tpu.memory_space<vmem>>, vector<16xf32>,
      %mul3A_273 = arith.mulf %get3A_267, %get3A_272 : vector<16xf32>
      %reduce_sum3A_274 = arith.constant true
      %reduce_sum3A_275 = vector.broadcast %reduce_sum3A_274 : i1 to vector<16xi1>
      %reduce_sum3A_276 = tpu.scan <sum>, %mul3A_273 masked %reduce_sum3A_275 : vector<16xf32>, vector<16xi1> -> vector<16xf32>
      %reduce_sum3A_277 = vector.extract %reduce_sum3A_276[15] : f32 from vector<16xf32>
      %eq3A_278 = arith.constant 4 : i32
      %eq3A_279 = vector.broadcast %eq3A_278 : i32 to vector<16xi32>
      %eq3A_280 = arith.cmpi eq, %iota3A, %eq3A_279 : vector<16xi32>
      %broadcast_in_dim3A_281 = vector.broadcast %reduce_sum3A_277 : f32 to vector<16xf32>
      %select_n3A_282 = arith.select %eq3A_280, %broadcast_in_dim3A_281, %select_n3A_258 : vector<16xi1>, vector<16xf32>
      %mul3A_283 = arith.constant 16 : i32
      %mul3A_284 = arith.muli %scan3A_165, %mul3A_283 : i32
      %add3A_285 = arith.constant 5 : i32
      %add3A_286 = arith.addi %mul3A_284, %add3A_285 : i32
      %mul3A_287 = arith.constant 2 : i32
      %mul3A_288 = arith.muli %mul3A_287, %add3A_286 : i32
      %get3A_289 = arith.index_cast %mul3A_288 : i32 to index
      %get3A_290 = arith.constant 0 : index
      %get3A_291 = tpu.vector_load %arg6[%get3A_289, %get3A_290] {strides = array<i32>} : memref<1024x16xf32, #tpu.memory_space<vmem>>, vector<16xf32>,
      %add3A_292 = arith.constant 1 : i32
      %add3A_293 = arith.addi %mul3A_288, %add3A_292 : i32
      %get3A_294 = arith.index_cast %add3A_293 : i32 to index
      %get3A_295 = arith.constant 0 : index
      %get3A_296 = tpu.vector_load %arg6[%get3A_294, %get3A_295] {strides = array<i32>} : memref<1024x16xf32, #tpu.memory_space<vmem>>, vector<16xf32>,
      %mul3A_297 = arith.mulf %get3A_291, %get3A_296 : vector<16xf32>
      %reduce_sum3A_298 = arith.constant true
      %reduce_sum3A_299 = vector.broadcast %reduce_sum3A_298 : i1 to vector<16xi1>
      %reduce_sum3A_300 = tpu.scan <sum>, %mul3A_297 masked %reduce_sum3A_299 : vector<16xf32>, vector<16xi1> -> vector<16xf32>
      %reduce_sum3A_301 = vector.extract %reduce_sum3A_300[15] : f32 from vector<16xf32>
      %eq3A_302 = arith.constant 5 : i32
      %eq3A_303 = vector.broadcast %eq3A_302 : i32 to vector<16xi32>
      %eq3A_304 = arith.cmpi eq, %iota3A, %eq3A_303 : vector<16xi32>
      %broadcast_in_dim3A_305 = vector.broadcast %reduce_sum3A_301 : f32 to vector<16xf32>
      %select_n3A_306 = arith.select %eq3A_304, %broadcast_in_dim3A_305, %select_n3A_282 : vector<16xi1>, vector<16xf32>
      %mul3A_307 = arith.constant 16 : i32
      %mul3A_308 = arith.muli %scan3A_165, %mul3A_307 : i32
      %add3A_309 = arith.constant 6 : i32
      %add3A_310 = arith.addi %mul3A_308, %add3A_309 : i32
      %mul3A_311 = arith.constant 2 : i32
      %mul3A_312 = arith.muli %mul3A_311, %add3A_310 : i32
      %get3A_313 = arith.index_cast %mul3A_312 : i32 to index
      %get3A_314 = arith.constant 0 : index
      %get3A_315 = tpu.vector_load %arg6[%get3A_313, %get3A_314] {strides = array<i32>} : memref<1024x16xf32, #tpu.memory_space<vmem>>, vector<16xf32>,
      %add3A_316 = arith.constant 1 : i32
      %add3A_317 = arith.addi %mul3A_312, %add3A_316 : i32
      %get3A_318 = arith.index_cast %add3A_317 : i32 to index
      %get3A_319 = arith.constant 0 : index
      %get3A_320 = tpu.vector_load %arg6[%get3A_318, %get3A_319] {strides = array<i32>} : memref<1024x16xf32, #tpu.memory_space<vmem>>, vector<16xf32>,
      %mul3A_321 = arith.mulf %get3A_315, %get3A_320 : vector<16xf32>
      %reduce_sum3A_322 = arith.constant true
      %reduce_sum3A_323 = vector.broadcast %reduce_sum3A_322 : i1 to vector<16xi1>
      %reduce_sum3A_324 = tpu.scan <sum>, %mul3A_321 masked %reduce_sum3A_323 : vector<16xf32>, vector<16xi1> -> vector<16xf32>
      %reduce_sum3A_325 = vector.extract %reduce_sum3A_324[15] : f32 from vector<16xf32>
      %eq3A_326 = arith.constant 6 : i32
      %eq3A_327 = vector.broadcast %eq3A_326 : i32 to vector<16xi32>
      %eq3A_328 = arith.cmpi eq, %iota3A, %eq3A_327 : vector<16xi32>
      %broadcast_in_dim3A_329 = vector.broadcast %reduce_sum3A_325 : f32 to vector<16xf32>
      %select_n3A_330 = arith.select %eq3A_328, %broadcast_in_dim3A_329, %select_n3A_306 : vector<16xi1>, vector<16xf32>
      %mul3A_331 = arith.constant 16 : i32
      %mul3A_332 = arith.muli %scan3A_165, %mul3A_331 : i32
      %add3A_333 = arith.constant 7 : i32
      %add3A_334 = arith.addi %mul3A_332, %add3A_333 : i32
      %mul3A_335 = arith.constant 2 : i32
      %mul3A_336 = arith.muli %mul3A_335, %add3A_334 : i32
      %get3A_337 = arith.index_cast %mul3A_336 : i32 to index
      %get3A_338 = arith.constant 0 : index
      %get3A_339 = tpu.vector_load %arg6[%get3A_337, %get3A_338] {strides = array<i32>} : memref<1024x16xf32, #tpu.memory_space<vmem>>, vector<16xf32>,
      %add3A_340 = arith.constant 1 : i32
      %add3A_341 = arith.addi %mul3A_336, %add3A_340 : i32
      %get3A_342 = arith.index_cast %add3A_341 : i32 to index
      %get3A_343 = arith.constant 0 : index
      %get3A_344 = tpu.vector_load %arg6[%get3A_342, %get3A_343] {strides = array<i32>} : memref<1024x16xf32, #tpu.memory_space<vmem>>, vector<16xf32>,
      %mul3A_345 = arith.mulf %get3A_339, %get3A_344 : vector<16xf32>
      %reduce_sum3A_346 = arith.constant true
      %reduce_sum3A_347 = vector.broadcast %reduce_sum3A_346 : i1 to vector<16xi1>
      %reduce_sum3A_348 = tpu.scan <sum>, %mul3A_345 masked %reduce_sum3A_347 : vector<16xf32>, vector<16xi1> -> vector<16xf32>
      %reduce_sum3A_349 = vector.extract %reduce_sum3A_348[15] : f32 from vector<16xf32>
      %eq3A_350 = arith.constant 7 : i32
      %eq3A_351 = vector.broadcast %eq3A_350 : i32 to vector<16xi32>
      %eq3A_352 = arith.cmpi eq, %iota3A, %eq3A_351 : vector<16xi32>
      %broadcast_in_dim3A_353 = vector.broadcast %reduce_sum3A_349 : f32 to vector<16xf32>
      %select_n3A_354 = arith.select %eq3A_352, %broadcast_in_dim3A_353, %select_n3A_330 : vector<16xi1>, vector<16xf32>
      %mul3A_355 = arith.constant 16 : i32
      %mul3A_356 = arith.muli %scan3A_165, %mul3A_355 : i32
      %add3A_357 = arith.constant 8 : i32
      %add3A_358 = arith.addi %mul3A_356, %add3A_357 : i32
      %mul3A_359 = arith.constant 2 : i32
      %mul3A_360 = arith.muli %mul3A_359, %add3A_358 : i32
      %get3A_361 = arith.index_cast %mul3A_360 : i32 to index
      %get3A_362 = arith.constant 0 : index
      %get3A_363 = tpu.vector_load %arg6[%get3A_361, %get3A_362] {strides = array<i32>} : memref<1024x16xf32, #tpu.memory_space<vmem>>, vector<16xf32>,
      %add3A_364 = arith.constant 1 : i32
      %add3A_365 = arith.addi %mul3A_360, %add3A_364 : i32
      %get3A_366 = arith.index_cast %add3A_365 : i32 to index
      %get3A_367 = arith.constant 0 : index
      %get3A_368 = tpu.vector_load %arg6[%get3A_366, %get3A_367] {strides = array<i32>} : memref<1024x16xf32, #tpu.memory_space<vmem>>, vector<16xf32>,
      %mul3A_369 = arith.mulf %get3A_363, %get3A_368 : vector<16xf32>
      %reduce_sum3A_370 = arith.constant true
      %reduce_sum3A_371 = vector.broadcast %reduce_sum3A_370 : i1 to vector<16xi1>
      %reduce_sum3A_372 = tpu.scan <sum>, %mul3A_369 masked %reduce_sum3A_371 : vector<16xf32>, vector<16xi1> -> vector<16xf32>
      %reduce_sum3A_373 = vector.extract %reduce_sum3A_372[15] : f32 from vector<16xf32>
      %eq3A_374 = arith.constant 8 : i32
      %eq3A_375 = vector.broadcast %eq3A_374 : i32 to vector<16xi32>
      %eq3A_376 = arith.cmpi eq, %iota3A, %eq3A_375 : vector<16xi32>
      %broadcast_in_dim3A_377 = vector.broadcast %reduce_sum3A_373 : f32 to vector<16xf32>
      %select_n3A_378 = arith.select %eq3A_376, %broadcast_in_dim3A_377, %select_n3A_354 : vector<16xi1>, vector<16xf32>
      %mul3A_379 = arith.constant 16 : i32
      %mul3A_380 = arith.muli %scan3A_165, %mul3A_379 : i32
      %add3A_381 = arith.constant 9 : i32
      %add3A_382 = arith.addi %mul3A_380, %add3A_381 : i32
      %mul3A_383 = arith.constant 2 : i32
      %mul3A_384 = arith.muli %mul3A_383, %add3A_382 : i32
      %get3A_385 = arith.index_cast %mul3A_384 : i32 to index
      %get3A_386 = arith.constant 0 : index
      %get3A_387 = tpu.vector_load %arg6[%get3A_385, %get3A_386] {strides = array<i32>} : memref<1024x16xf32, #tpu.memory_space<vmem>>, vector<16xf32>,
      %add3A_388 = arith.constant 1 : i32
      %add3A_389 = arith.addi %mul3A_384, %add3A_388 : i32
      %get3A_390 = arith.index_cast %add3A_389 : i32 to index
      %get3A_391 = arith.constant 0 : index
      %get3A_392 = tpu.vector_load %arg6[%get3A_390, %get3A_391] {strides = array<i32>} : memref<1024x16xf32, #tpu.memory_space<vmem>>, vector<16xf32>,
      %mul3A_393 = arith.mulf %get3A_387, %get3A_392 : vector<16xf32>
      %reduce_sum3A_394 = arith.constant true
      %reduce_sum3A_395 = vector.broadcast %reduce_sum3A_394 : i1 to vector<16xi1>
      %reduce_sum3A_396 = tpu.scan <sum>, %mul3A_393 masked %reduce_sum3A_395 : vector<16xf32>, vector<16xi1> -> vector<16xf32>
      %reduce_sum3A_397 = vector.extract %reduce_sum3A_396[15] : f32 from vector<16xf32>
      %eq3A_398 = arith.constant 9 : i32
      %eq3A_399 = vector.broadcast %eq3A_398 : i32 to vector<16xi32>
      %eq3A_400 = arith.cmpi eq, %iota3A, %eq3A_399 : vector<16xi32>
      %broadcast_in_dim3A_401 = vector.broadcast %reduce_sum3A_397 : f32 to vector<16xf32>
      %select_n3A_402 = arith.select %eq3A_400, %broadcast_in_dim3A_401, %select_n3A_378 : vector<16xi1>, vector<16xf32>
      %mul3A_403 = arith.constant 16 : i32
      %mul3A_404 = arith.muli %scan3A_165, %mul3A_403 : i32
      %add3A_405 = arith.constant 10 : i32
      %add3A_406 = arith.addi %mul3A_404, %add3A_405 : i32
      %mul3A_407 = arith.constant 2 : i32
      %mul3A_408 = arith.muli %mul3A_407, %add3A_406 : i32
      %get3A_409 = arith.index_cast %mul3A_408 : i32 to index
      %get3A_410 = arith.constant 0 : index
      %get3A_411 = tpu.vector_load %arg6[%get3A_409, %get3A_410] {strides = array<i32>} : memref<1024x16xf32, #tpu.memory_space<vmem>>, vector<16xf32>,
      %add3A_412 = arith.constant 1 : i32
      %add3A_413 = arith.addi %mul3A_408, %add3A_412 : i32
      %get3A_414 = arith.index_cast %add3A_413 : i32 to index
      %get3A_415 = arith.constant 0 : index
      %get3A_416 = tpu.vector_load %arg6[%get3A_414, %get3A_415] {strides = array<i32>} : memref<1024x16xf32, #tpu.memory_space<vmem>>, vector<16xf32>,
      %mul3A_417 = arith.mulf %get3A_411, %get3A_416 : vector<16xf32>
      %reduce_sum3A_418 = arith.constant true
      %reduce_sum3A_419 = vector.broadcast %reduce_sum3A_418 : i1 to vector<16xi1>
      %reduce_sum3A_420 = tpu.scan <sum>, %mul3A_417 masked %reduce_sum3A_419 : vector<16xf32>, vector<16xi1> -> vector<16xf32>
      %reduce_sum3A_421 = vector.extract %reduce_sum3A_420[15] : f32 from vector<16xf32>
      %eq3A_422 = arith.constant 10 : i32
      %eq3A_423 = vector.broadcast %eq3A_422 : i32 to vector<16xi32>
      %eq3A_424 = arith.cmpi eq, %iota3A, %eq3A_423 : vector<16xi32>
      %broadcast_in_dim3A_425 = vector.broadcast %reduce_sum3A_421 : f32 to vector<16xf32>
      %select_n3A_426 = arith.select %eq3A_424, %broadcast_in_dim3A_425, %select_n3A_402 : vector<16xi1>, vector<16xf32>
      %mul3A_427 = arith.constant 16 : i32
      %mul3A_428 = arith.muli %scan3A_165, %mul3A_427 : i32
      %add3A_429 = arith.constant 11 : i32
      %add3A_430 = arith.addi %mul3A_428, %add3A_429 : i32
      %mul3A_431 = arith.constant 2 : i32
      %mul3A_432 = arith.muli %mul3A_431, %add3A_430 : i32
      %get3A_433 = arith.index_cast %mul3A_432 : i32 to index
      %get3A_434 = arith.constant 0 : index
      %get3A_435 = tpu.vector_load %arg6[%get3A_433, %get3A_434] {strides = array<i32>} : memref<1024x16xf32, #tpu.memory_space<vmem>>, vector<16xf32>,
      %add3A_436 = arith.constant 1 : i32
      %add3A_437 = arith.addi %mul3A_432, %add3A_436 : i32
      %get3A_438 = arith.index_cast %add3A_437 : i32 to index
      %get3A_439 = arith.constant 0 : index
      %get3A_440 = tpu.vector_load %arg6[%get3A_438, %get3A_439] {strides = array<i32>} : memref<1024x16xf32, #tpu.memory_space<vmem>>, vector<16xf32>,
      %mul3A_441 = arith.mulf %get3A_435, %get3A_440 : vector<16xf32>
      %reduce_sum3A_442 = arith.constant true
      %reduce_sum3A_443 = vector.broadcast %reduce_sum3A_442 : i1 to vector<16xi1>
      %reduce_sum3A_444 = tpu.scan <sum>, %mul3A_441 masked %reduce_sum3A_443 : vector<16xf32>, vector<16xi1> -> vector<16xf32>
      %reduce_sum3A_445 = vector.extract %reduce_sum3A_444[15] : f32 from vector<16xf32>
      %eq3A_446 = arith.constant 11 : i32
      %eq3A_447 = vector.broadcast %eq3A_446 : i32 to vector<16xi32>
      %eq3A_448 = arith.cmpi eq, %iota3A, %eq3A_447 : vector<16xi32>
      %broadcast_in_dim3A_449 = vector.broadcast %reduce_sum3A_445 : f32 to vector<16xf32>
      %select_n3A_450 = arith.select %eq3A_448, %broadcast_in_dim3A_449, %select_n3A_426 : vector<16xi1>, vector<16xf32>
      %mul3A_451 = arith.constant 16 : i32
      %mul3A_452 = arith.muli %scan3A_165, %mul3A_451 : i32
      %add3A_453 = arith.constant 12 : i32
      %add3A_454 = arith.addi %mul3A_452, %add3A_453 : i32
      %mul3A_455 = arith.constant 2 : i32
      %mul3A_456 = arith.muli %mul3A_455, %add3A_454 : i32
      %get3A_457 = arith.index_cast %mul3A_456 : i32 to index
      %get3A_458 = arith.constant 0 : index
      %get3A_459 = tpu.vector_load %arg6[%get3A_457, %get3A_458] {strides = array<i32>} : memref<1024x16xf32, #tpu.memory_space<vmem>>, vector<16xf32>,
      %add3A_460 = arith.constant 1 : i32
      %add3A_461 = arith.addi %mul3A_456, %add3A_460 : i32
      %get3A_462 = arith.index_cast %add3A_461 : i32 to index
      %get3A_463 = arith.constant 0 : index
      %get3A_464 = tpu.vector_load %arg6[%get3A_462, %get3A_463] {strides = array<i32>} : memref<1024x16xf32, #tpu.memory_space<vmem>>, vector<16xf32>,
      %mul3A_465 = arith.mulf %get3A_459, %get3A_464 : vector<16xf32>
      %reduce_sum3A_466 = arith.constant true
      %reduce_sum3A_467 = vector.broadcast %reduce_sum3A_466 : i1 to vector<16xi1>
      %reduce_sum3A_468 = tpu.scan <sum>, %mul3A_465 masked %reduce_sum3A_467 : vector<16xf32>, vector<16xi1> -> vector<16xf32>
      %reduce_sum3A_469 = vector.extract %reduce_sum3A_468[15] : f32 from vector<16xf32>
      %eq3A_470 = arith.constant 12 : i32
      %eq3A_471 = vector.broadcast %eq3A_470 : i32 to vector<16xi32>
      %eq3A_472 = arith.cmpi eq, %iota3A, %eq3A_471 : vector<16xi32>
      %broadcast_in_dim3A_473 = vector.broadcast %reduce_sum3A_469 : f32 to vector<16xf32>
      %select_n3A_474 = arith.select %eq3A_472, %broadcast_in_dim3A_473, %select_n3A_450 : vector<16xi1>, vector<16xf32>
      %mul3A_475 = arith.constant 16 : i32
      %mul3A_476 = arith.muli %scan3A_165, %mul3A_475 : i32
      %add3A_477 = arith.constant 13 : i32
      %add3A_478 = arith.addi %mul3A_476, %add3A_477 : i32
      %mul3A_479 = arith.constant 2 : i32
      %mul3A_480 = arith.muli %mul3A_479, %add3A_478 : i32
      %get3A_481 = arith.index_cast %mul3A_480 : i32 to index
      %get3A_482 = arith.constant 0 : index
      %get3A_483 = tpu.vector_load %arg6[%get3A_481, %get3A_482] {strides = array<i32>} : memref<1024x16xf32, #tpu.memory_space<vmem>>, vector<16xf32>,
      %add3A_484 = arith.constant 1 : i32
      %add3A_485 = arith.addi %mul3A_480, %add3A_484 : i32
      %get3A_486 = arith.index_cast %add3A_485 : i32 to index
      %get3A_487 = arith.constant 0 : index
      %get3A_488 = tpu.vector_load %arg6[%get3A_486, %get3A_487] {strides = array<i32>} : memref<1024x16xf32, #tpu.memory_space<vmem>>, vector<16xf32>,
      %mul3A_489 = arith.mulf %get3A_483, %get3A_488 : vector<16xf32>
      %reduce_sum3A_490 = arith.constant true
      %reduce_sum3A_491 = vector.broadcast %reduce_sum3A_490 : i1 to vector<16xi1>
      %reduce_sum3A_492 = tpu.scan <sum>, %mul3A_489 masked %reduce_sum3A_491 : vector<16xf32>, vector<16xi1> -> vector<16xf32>
      %reduce_sum3A_493 = vector.extract %reduce_sum3A_492[15] : f32 from vector<16xf32>
      %eq3A_494 = arith.constant 13 : i32
      %eq3A_495 = vector.broadcast %eq3A_494 : i32 to vector<16xi32>
      %eq3A_496 = arith.cmpi eq, %iota3A, %eq3A_495 : vector<16xi32>
      %broadcast_in_dim3A_497 = vector.broadcast %reduce_sum3A_493 : f32 to vector<16xf32>
      %select_n3A_498 = arith.select %eq3A_496, %broadcast_in_dim3A_497, %select_n3A_474 : vector<16xi1>, vector<16xf32>
      %mul3A_499 = arith.constant 16 : i32
      %mul3A_500 = arith.muli %scan3A_165, %mul3A_499 : i32
      %add3A_501 = arith.constant 14 : i32
      %add3A_502 = arith.addi %mul3A_500, %add3A_501 : i32
      %mul3A_503 = arith.constant 2 : i32
      %mul3A_504 = arith.muli %mul3A_503, %add3A_502 : i32
      %get3A_505 = arith.index_cast %mul3A_504 : i32 to index
      %get3A_506 = arith.constant 0 : index
      %get3A_507 = tpu.vector_load %arg6[%get3A_505, %get3A_506] {strides = array<i32>} : memref<1024x16xf32, #tpu.memory_space<vmem>>, vector<16xf32>,
      %add3A_508 = arith.constant 1 : i32
      %add3A_509 = arith.addi %mul3A_504, %add3A_508 : i32
      %get3A_510 = arith.index_cast %add3A_509 : i32 to index
      %get3A_511 = arith.constant 0 : index
      %get3A_512 = tpu.vector_load %arg6[%get3A_510, %get3A_511] {strides = array<i32>} : memref<1024x16xf32, #tpu.memory_space<vmem>>, vector<16xf32>,
      %mul3A_513 = arith.mulf %get3A_507, %get3A_512 : vector<16xf32>
      %reduce_sum3A_514 = arith.constant true
      %reduce_sum3A_515 = vector.broadcast %reduce_sum3A_514 : i1 to vector<16xi1>
      %reduce_sum3A_516 = tpu.scan <sum>, %mul3A_513 masked %reduce_sum3A_515 : vector<16xf32>, vector<16xi1> -> vector<16xf32>
      %reduce_sum3A_517 = vector.extract %reduce_sum3A_516[15] : f32 from vector<16xf32>
      %eq3A_518 = arith.constant 14 : i32
      %eq3A_519 = vector.broadcast %eq3A_518 : i32 to vector<16xi32>
      %eq3A_520 = arith.cmpi eq, %iota3A, %eq3A_519 : vector<16xi32>
      %broadcast_in_dim3A_521 = vector.broadcast %reduce_sum3A_517 : f32 to vector<16xf32>
      %select_n3A_522 = arith.select %eq3A_520, %broadcast_in_dim3A_521, %select_n3A_498 : vector<16xi1>, vector<16xf32>
      %mul3A_523 = arith.constant 16 : i32
      %mul3A_524 = arith.muli %scan3A_165, %mul3A_523 : i32
      %add3A_525 = arith.constant 15 : i32
      %add3A_526 = arith.addi %mul3A_524, %add3A_525 : i32
      %mul3A_527 = arith.constant 2 : i32
      %mul3A_528 = arith.muli %mul3A_527, %add3A_526 : i32
      %get3A_529 = arith.index_cast %mul3A_528 : i32 to index
      %get3A_530 = arith.constant 0 : index
      %get3A_531 = tpu.vector_load %arg6[%get3A_529, %get3A_530] {strides = array<i32>} : memref<1024x16xf32, #tpu.memory_space<vmem>>, vector<16xf32>,
      %add3A_532 = arith.constant 1 : i32
      %add3A_533 = arith.addi %mul3A_528, %add3A_532 : i32
      %get3A_534 = arith.index_cast %add3A_533 : i32 to index
      %get3A_535 = arith.constant 0 : index
      %get3A_536 = tpu.vector_load %arg6[%get3A_534, %get3A_535] {strides = array<i32>} : memref<1024x16xf32, #tpu.memory_space<vmem>>, vector<16xf32>,
      %mul3A_537 = arith.mulf %get3A_531, %get3A_536 : vector<16xf32>
      %reduce_sum3A_538 = arith.constant true
      %reduce_sum3A_539 = vector.broadcast %reduce_sum3A_538 : i1 to vector<16xi1>
      %reduce_sum3A_540 = tpu.scan <sum>, %mul3A_537 masked %reduce_sum3A_539 : vector<16xf32>, vector<16xi1> -> vector<16xf32>
      %reduce_sum3A_541 = vector.extract %reduce_sum3A_540[15] : f32 from vector<16xf32>
      %eq3A_542 = arith.constant 15 : i32
      %eq3A_543 = vector.broadcast %eq3A_542 : i32 to vector<16xi32>
      %eq3A_544 = arith.cmpi eq, %iota3A, %eq3A_543 : vector<16xi32>
      %broadcast_in_dim3A_545 = vector.broadcast %reduce_sum3A_541 : f32 to vector<16xf32>
      %select_n3A_546 = arith.select %eq3A_544, %broadcast_in_dim3A_545, %select_n3A_522 : vector<16xi1>, vector<16xf32>
      %mul3A_547 = arith.constant 16 : i32
      %mul3A_548 = arith.muli %scan3A_165, %mul3A_547 : i32
      %swap3A = arith.index_cast %mul3A_548 : i32 to index
      %swap3A_549 = tpu.vector_load %arg7[%swap3A] {strides = array<i32>} : memref<512xf32, #tpu.memory_space<vmem>>, vector<16xf32>,
      tpu.vector_store %arg7[%swap3A], %select_n3A_546 {strides = array<i32>} : memref<512xf32, #tpu.memory_space<vmem>>, vector<16xf32>,
    }
    %scan3A_164 = arith.constant 32 : i32
    "tpu.region"() ({
      %run_scoped3A = tpu.sem_alloc : memref<!tpu.dma_semaphore, #tpu.memory_space<semaphore_mem>>
      %dma_start3A_165 = tpu.memref_slice %arg4[%mul3A_2] : memref<16384xf32, #tpu.memory_space<hbm>> -> memref<512xf32, #tpu.memory_space<hbm>>
      %dma_start3A_166 = tpu.memref_slice %arg4[%mul3A_2] : memref<16384xf32, #tpu.memory_space<hbm>> -> memref<512xf32, #tpu.memory_space<hbm>>
      tpu.enqueue_dma source(%arg7 : memref<512xf32, #tpu.memory_space<vmem>>) target(%dma_start3A_166 : memref<512xf32, #tpu.memory_space<hbm>>) target_semaphore(%run_scoped3A : memref<!tpu.dma_semaphore, #tpu.memory_space<semaphore_mem>>)
      %dma_wait3A_167 = tpu.memref_slice %arg4[%mul3A_2] : memref<16384xf32, #tpu.memory_space<hbm>> -> memref<512xf32, #tpu.memory_space<hbm>>
      %dma_wait3A_168 = tpu.memref_slice %arg4[%mul3A_2] : memref<16384xf32, #tpu.memory_space<hbm>> -> memref<512xf32, #tpu.memory_space<hbm>>
      tpu.wait_dma2 semaphore(%run_scoped3A : memref<!tpu.dma_semaphore, #tpu.memory_space<semaphore_mem>>) src(%arg7 : memref<512xf32, #tpu.memory_space<vmem>>) dst(%dma_wait3A_168 : memref<512xf32, #tpu.memory_space<hbm>>)
      tpu.yield
    }) : () -> ()
    return
  }
}

</mosaic_0001>

<sc_bundles>
// kernel: kernel.3.cloned.1.call-start
scs
__scs_entry_jumppad:
0x0: {  	(pc) =	sbr.rel $0x88, $3  }
0x1: {  	(tag) =	ssettag $0x0;
	lr =	simm.s32 $0x1  }
0x2: {  	[smem:$0x3F9F] =	sst lr;
	_ =	strace $0xD0000000  }
0x3: {  	_ = 	snop  }
0x4: {  	_ = 	snop  }
0x5: {  	_ = 	snop  }
0x6: {  	_ = 	snop  }
0x7: {  	_ = 	snop  }
__scs_overlays_trampoline_lowered:
0x8: {  	[smem:$0x3FAE] =	sst s0  }
0x9: {  	[smem:$0x3FAF] =	sst s1  }
0xa: {  	[smem:$0x3FB0] =	sst s2  }
0xb: {  	[smem:$0x3FB1] =	sst s3  }
0xc: {  	[smem:$0x3FB2] =	sst s4  }
0xd: {  	[smem:$0x3FB3] =	sst s5  }
0xe: {  	[smem:$0x3FB4] =	sst s6  }
0xf: {  	[smem:$0x3FB5] =	sst s7  }
0x10: {  	[smem:$0x3FB6] =	sst s8  }
0x11: {  	[smem:$0x3FB7] =	sst s9;
	s0 =	simm.s32 @!p0 $0x0  }
0x12: {  	s1 =	sld [smem:$0x3F9D];
	s0 =	simm.s32 @p0 $0x1  }
0x13: {  	[smem:$0x3FB8] =	sst s0;
	s0 =	simm.s32 @!p1 $0x0  }
0x14: {  	s2 =	sld [smem:$0x3F9C];
	s0 =	simm.s32 @p1 $0x1  }
0x15: {  	[smem:$0x3FB9] =	sst s0;
	s0 =	simm.s32 @!p2 $0x0  }
0x16: {  	s3 =	sld [smem:$0x3FDB];
	s0 =	simm.s32 @p2 $0x1  }
0x17: {  	s4 =	simm.s32 $0x1BF5;
	[smem:$0x3FBB] =	sst s0  }
0x18: {  	s0 =	sld [smem:$0x3F9E];
	_ =	swait.ge [sflag:s4], $0x0  }
0x19: {  	s7 =	sld [smem:$0x3F9F]  }
0x1a: {  	s8 =	sadd.s32 $0xFFFFE003, lr  }
0x1b: {  	s9 =	sadd.s32 $0xFFFFFEF7, lr;
	s5 =	simm.s32 $0xFFFFFFFF;
	p2 =	slt.u32 s8, $0xFFFFF086  }
0x1c: {  	p1 =	slt.u32 s9, $0xF7A;
	s5 =	simm.s32 @!p2 $0x0  }
0x1d: {  	s5 =	simm.s32 @p1 $0x1;
	p0 =	seq.s32 s7, s2  }
0x1e: {  	s7 =	smul.u32 @!p0 $0xF7A, s2;
	p2 =	seq.s32 @!p0 s5, $0x0  }
0x1f: {  	s9 =	smul.u32 $0xF7A, s1;
	s8 =	simm.s32 @!p0 $0x1BF5;
	p2 =	por !p2, p0  }
0x20: {  	[sflag:s8] =	ssyncset.s32 @!p0 $0xFFFFF086;
	s6 =	sadd.s32 @!p0 s3, s7;
	s7 =	simm.s32 @!p0 $0x108  }
0x21: {  	s3 =	sadd.s32 s3, s9;
	s6 =	sadd.s32 @!p0 $0x88, s6;
	s7 =	simm.s32 @p2 $0x1082  }
0x22: {  	[simem:s7], [sflag:s8] =	dma.local @!p0 [hbm:s6], $0xF7A  }
0x23: {  	s9 =	sor.u32 $0xD0000000, s2;
	s6 =	simm.s32 $0x108;
	_ =	swait.ge @!p0 [sflag:s8], $0x0  }
0x24: {  	s3 =	sadd.s32 $0x88, s3;
	s6 =	simm.s32 @!p1 $0x1082;
	[sflag:s4] =	ssyncset.s32 $0xFFFFF086  }
0x25: {  	[simem:s6], [sflag:s4] =	dma.local [hbm:s3], $0xF7A  }
0x26: {  	[smem:$0x3F9F] =	sst s1;
	(tag) =	ssettag s2;
	_ =	strace s9  }
0x27: {  	s1 =	sld [smem:$0x3FAF]  }
0x28: {  	s2 =	sld [smem:$0x3FB0]  }
0x29: {  	s4 =	sld [smem:$0x3FB2]  }
0x2a: {  	p0 =	seq.s32 s5, $0x0;
	s5 =	sld [smem:$0x3FB3]  }
0x2b: {  	s6 =	sld [smem:$0x3FB4]  }
0x2c: {  	s7 =	sld [smem:$0x3FB5]  }
0x2d: {  	s3 =	simm.s32 $0x108;
	s8 =	sld [smem:$0x3FB6]  }
0x2e: {  	s3 =	simm.s32 @!p0 $0x1082;
	s9 =	sld [smem:$0x3FB7]  }
0x2f: {  	lr =	sadd.s32 s0, s3;
	s0 =	sld [smem:$0x3FAE]  }
0x30: {  	s3 =	sld [smem:$0x3FB1]  }
0x31: {  	[smem:$0x3FBA] =	sst s10  }
0x32: {  	s10 =	sld [smem:$0x3FB8];
	_ =	sdelay $0x3  }
0x33: {  	p0 =	seq.s32 s10, $0x1;
	s10 =	sld [smem:$0x3FBA];
	_ =	sdelay $0x3  }
0x34: {  	[smem:$0x3FBA] =	sst s10  }
0x35: {  	s10 =	sld [smem:$0x3FB9];
	_ =	sdelay $0x3  }
0x36: {  	p1 =	seq.s32 s10, $0x1;
	s10 =	sld [smem:$0x3FBA];
	_ =	sdelay $0x3  }
0x37: {  	[smem:$0x3FBA] =	sst s10  }
0x38: {  	s10 =	sld [smem:$0x3FBB]  }
0x39: {  	_ = 	snop;
	(pc) =	sbr.ind lr, $3  }
0x3a: {  	_ = 	snop  }
0x3b: {  	_ = 	snop  }
0x3c: {  	p2 =	seq.s32 s10, $0x1;
	s10 =	sld [smem:$0x3FBA]  }
0x3d: {  	_ =	shalt  }
0x3e: {  	_ =	shalt  }
0x3f: {  	_ =	shalt  }
0x40: {  	_ =	shalt  }
0x41: {  	_ =	shalt  }
0x42: {  	_ =	shalt  }
0x43: {  	_ =	shalt  }
0x44: {  	_ =	shalt  }
0x45: {  	_ =	shalt  }
0x46: {  	_ =	shalt  }
0x47: {  	_ =	shalt  }
0x48: {  	_ =	shalt  }
0x49: {  	_ =	shalt  }
0x4a: {  	_ =	shalt  }
0x4b: {  	_ =	shalt  }
0x4c: {  	_ =	shalt  }
0x4d: {  	_ =	shalt  }
0x4e: {  	_ =	shalt  }
0x4f: {  	_ =	shalt  }
0x50: {  	_ =	shalt  }
0x51: {  	_ =	shalt  }
0x52: {  	_ =	shalt  }
0x53: {  	_ =	shalt  }
0x54: {  	_ =	shalt  }
0x55: {  	_ =	shalt  }
0x56: {  	_ =	shalt  }
0x57: {  	_ =	shalt  }
0x58: {  	_ =	shalt  }
0x59: {  	_ =	shalt  }
0x5a: {  	_ =	shalt  }
0x5b: {  	_ =	shalt  }
0x5c: {  	_ =	shalt  }
0x5d: {  	_ =	shalt  }
0x5e: {  	_ =	shalt  }
0x5f: {  	_ =	shalt  }
0x60: {  	_ =	shalt  }
0x61: {  	_ =	shalt  }
0x62: {  	_ =	shalt  }
0x63: {  	_ =	shalt  }
0x64: {  	_ =	shalt  }
0x65: {  	_ =	shalt  }
0x66: {  	_ =	shalt  }
0x67: {  	_ =	shalt  }
0x68: {  	_ =	shalt  }
0x69: {  	_ =	shalt  }
0x6a: {  	_ =	shalt  }
0x6b: {  	_ =	shalt  }
0x6c: {  	_ =	shalt  }
0x6d: {  	_ =	shalt  }
0x6e: {  	_ =	shalt  }
0x6f: {  	_ =	shalt  }
0x70: {  	_ =	shalt  }
0x71: {  	_ =	shalt  }
0x72: {  	_ =	shalt  }
0x73: {  	_ =	shalt  }
0x74: {  	_ =	shalt  }
0x75: {  	_ =	shalt  }
0x76: {  	_ =	shalt  }
0x77: {  	_ =	shalt  }
0x78: {  	_ =	shalt  }
0x79: {  	_ =	shalt  }
0x7a: {  	_ =	shalt  }
0x7b: {  	_ =	shalt  }
0x7c: {  	_ =	shalt  }
0x7d: {  	_ =	shalt  }
0x7e: {  	_ =	shalt  }
0x7f: {  	_ =	shalt  }
0x80: {  	_ =	shalt  }
0x81: {  	_ =	shalt  }
0x82: {  	_ =	shalt  }
0x83: {  	_ =	shalt  }
0x84: {  	_ =	shalt  }
0x85: {  	_ =	shalt  }
0x86: {  	_ =	shalt  }
0x87: {  	_ =	shalt  }
.Lfunc_end0:
.L_simem_size_0:
called_computation_lowered:
.L_overlay_start_0:
0x88: {  	s2 =	sld [smem:$0x3FD9]  }
0x89: {  	s3 =	sld [smem:$0x3FFE];
	_ =	sdelay $0x1  }
0x8a: {  	s1 =	srdreg.scid  }
0x8b: {  	s0 =	sand.u32 $0x1, s1  }
0x8c: {  	s17 =	sshll.u32 s0, $0xA;
	s2 =	sadd.s32 s3, s2  }
0x8d: {  	s2 =	sadd.s32 s2, s17  }
0x8e: {  	[smem:$0x3FC6] =	sst s2  }
0x8f: {  	_ = 	snop  }
0x90: {  	s2 =	sld [smem:$0x3FD0];
	(tm) =	ssettm $0x1  }
0x91: {  	s18 =	sld [smem:$0x3FFB];
	_ =	sdelay $0x3  }
0x92: {  	_ =	strace s18  }
0x93: {  	s3 =	sld [smem:$0x3FFC];
	_ =	sdelay $0x3  }
0x94: {  	_ =	strace s3  }
0x95: {  	s3 =	sld [smem:$0x3FFD];
	_ =	sdelay $0x3  }
0x96: {  	_ =	strace s3  }
0x97: {  	_ =	strace $0x8FFFFFFF  }
0x98: {  	s19 =	sld [smem:$0x3FDB];
	_ =	sdelay $0x1  }
0x99: {  	s4 =	simm.s32 $_scs_section_size  }
0x9a: {  	s5 =	simm.s32 $_size__tile_overlayer_lowered;
	s6 =	simm.s32 $_tile_overlayer_lowered  }
0x9b: {  	s22 =	simm.s32 $0x1BFF;
	s21 =	sshll.u32 s6, $0x1;
	s3 =	sadd.s32 s4, s19  }
0x9c: {  	s7 =	simm.s32 $0x0;
	s20 =	sshll.u32 s5, $0x1;
	s5 =	sadd.s32 s21, s3  }
0x9d: {  	[timem:s7], [sflag:s22] =	dma.local [hbm:s5], s20  }
0x9e: {  	_ =	swait.ge [sflag:s22], s20  }
0x9f: {  	s4 =	ssub.s32 $0x0, s20;
	[sflag:s22] =	ssyncset.done $0x0  }
0xa0: {  	[sflag:s22] =	ssyncadd.s32 s4;
	_ =	sdelay $0x1  }
0xa1: {  	s23 =	simm.s32 $0x1B8B  }
0xa2: {  	_ =	swait.ge [sflag:s23], $0x1  }
0xa3: {  	[sflag:s23] =	ssyncset.done $0x0  }
0xa4: {  	s25 =	simm.s32 $0x1B8E;
	s24 =	sld [smem:$0x3FFE];
	[sflag:s23] =	ssyncadd.s32 $0xFFFFFFFF  }
0xa5: {  	s26 =	simm.s32 $execute0_lowered;
	[smem:$0x3FD2] =	sst s25  }
0xa6: {  	s5 =	sshll.u32 s26, $0x1;
	_ =	strace $0x80000046;
	[dreg:$0x1] =	wrdreg $0xFFFFFFFF  }
0xa7: {  	s28 =	simm.s32 $_size_execute0_lowered;
	s3 =	sadd.s32 s3, s5;
	[dreg:$0x0] =	wrdreg $0x0  }
0xa8: {  	s5 =	sshll.u32 s28, $0x1;
	[dreg:$0x2] =	wrdreg s3  }
0xa9: {  	[dreg:$0x3] =	wrdreg s5  }
0xaa: {  	[dreg:$0x4] =	wrdreg $0xC0  }
0xab: {  	_ =	task [dreg:s7], $0x5FFFF  }
0xac: {  	[dreg:$0x1] =	wrdreg $0xFFFFFFFF  }
0xad: {  	[dreg:$0x0] =	wrdreg $0x60  }
0xae: {  	[dreg:$0x2] =	wrdreg s24  }
0xaf: {  	[dreg:$0x3] =	wrdreg s2  }
0xb0: {  	[dreg:$0x4] =	wrdreg $0x9  }
0xb1: {  	_ =	task.clear_ibuf [dreg:s7], $0x5FFFF;
	_ =	strace $0x90000046  }
0xb2: {  	s29 =	simm.s32 $0x9;
	_ =	strace $0x80000048  }
0xb3: {  	_ =	swait.ge [sflag:s29], $0x1  }
0xb4: {  	[sflag:s29] =	ssyncadd.s32 $0xFFFFFFFF  }
0xb5: {  	_ =	strace $0x90000048  }
0xb6: {  	_ =	sfence  }
0xb7: {  	s30 =	sld [smem:$0x0];
	_ =	sdelay $0x2  }
0xb8: {  	s31 =	sshll.u32 s1, $0xD;
	s1 =	sshrl.u32 s1, $0x2  }
0xb9: {  	s3 =	sand.u32 $0x4000, s31;
	s1 =	sadd.s32 s1, s30  }
0xba: {  	s0 =	sor.u32 s3, s0;
	s1 =	sshll.u32 s1, $0x11  }
0xbb: {  	s0 =	sor.u32 s1, s0  }
0xbc: {  	s0 =	sadd.s32 $0x8F2B, s0  }
0xbd: {  	[sflag:s0] =	ssyncadd.remote.s32 $0x1  }
0xbe: {  	_ =	sfence.sel $0xFFFF  }
0xbf: {  	[dreg:$0x0] =	wrdreg $0xFFFFFFFF;
	(pc) =	sbr.abs _section_cstart, $3  }
0xc0: {  	[dreg:$0x1] =	wrdreg $0xFFFFFFFF  }
0xc1: {  	_ =	task.clear_ibuf [dreg:s7], $0x2FFFF;
	_ =	strace $0x9FFFFFFF  }
0xc2: {  	(tm) =	ssettm $0x7FFFFFFF  }
0xc3: {  	_ =	shalt  }
tec
execute0_lowered:
.L_overlay_start_1:
0x0: {  	(tag) =	ssettag $0x1  }
0x1: {  	s4 =	rddreg [dreg:$0x0]  }
0x2: {  	s5 =	rddreg [dreg:$0x1]  }
0x3: {  	s0 =	rddreg [dreg:$0x2];
	s3 =	srdreg.scid  }
0x4: {  	s1 =	stileid.u32;
	s2 =	simm.s32 $0x0;
	s9 =	simm.s32 $0x400  }
0x5: {  	s10 =	simm.s32 $0xC00;
	s11 =	simm.s32 $0x100;
	s12 =	simm.s32 $0x1400  }
0x6: {  	s13 =	simm.s32 $0x180;
	s14 =	simm.s32 $0x1C00;
	s15 =	simm.s32 $0x200  }
0x7: {  	s16 =	simm.s32 $0x2400;
	s17 =	simm.s32 $0x280;
	s18 =	simm.s32 $0x2C00  }
0x8: {  	s19 =	simm.s32 $0x300;
	s20 =	simm.s32 $0x3400;
	s21 =	simm.s32 $0x380  }
0x9: {  	s22 =	simm.s32 $0x3C00;
	s23 =	simm.s32 $0x1;
	s24 =	simm.s32 $0x4400  }
0xa: {  	s3 =	sand.u32 $0x1, s3;
	s6 =	sshll.u32 s1, $0x1;
	[smem:$0x7FF] =	sst s2  }
0xb: {  	vm0 =	vmmov $0x1;
	vm1 =	vmmov $0x3;
	vm2 =	vmmov $0x7;
	s25 =	simm.s32 $0x0;
	s6 =	sor.u32 s3, s6;
	_ =	strace $0x80000047  }
0xc: {  	vm3 =	vmmov $0xf;
	vm4 =	vmmov $0x1f;
	vm5 =	vmmov $0x3f;
	s8 =	ssub.s32 $0x2, s3;
	s3 =	sadd.s32 $0xF42A00, s4;
	s7 =	sshll.u32 s6, $0x7  }
0xd: {  	vm6 =	vmmov $0x7f;
	vm7 =	vmmov $0xff;
	vm8 =	vmmov $0x1ff;
	s31 =	sshrl.u32 s8, $0x1;
	s6 =	sshll.u32 s6, $0x6;
	s4 =	sadd.s32 s7, s4  }
0xe: {  	vm9 =	vmmov $0x3ff;
	vm10 =	vmmov $0x7ff;
	vm11 =	vmmov $0xfff;
	s7 =	ssub.s32 s8, s31;
	s5 =	sadd.s32 s5, s6;
	s8 =	simm.s32 $0x80  }
0xf: {  	vm12 =	vmmov $0x1fff;
	vm13 =	vmmov $0x3fff;
	vm14 =	vmmov $0x7fff;
	s4 =	sadd.s32 $0x600, s4;
	s6 =	smax.u32 s7, $0x1;
	s7 =	simm.s32 $0x2  }
.LBB2_1:
0x10: {  	[tilespmem:s2], [sflag:$0x2] =	stream.linear.gather [hbm4b:s4+s2], $0x400, $0x38;
	[tilespmem:$0x4600] =	vst v63  }
0x11: {  	_ =	swait.ge [sflag:s7], $0x400  }
0x12: {  	[sflag:s7] =	ssyncset.done $0x0  }
0x13: {  	[sflag:s7] =	ssyncadd.s32 $0xFFFFFC00  }
0x14: {  	[tilespmem:s9], [sflag:$0x1] =	stream.indirect.gather [hbm4b:s3+s8], $0x10, s2, s8, $0xb8;
	[tilespmem:$0x4600] =	vst v63  }
0x15: {  	_ = 	snop  }
0x16: {  	[tilespmem:s10], [sflag:$0x1] =	stream.indirect.gather [hbm4b:s3+s8], $0x10, s8, s8, $0xb8;
	[tilespmem:$0x4600] =	vst v63  }
0x17: {  	_ = 	snop  }
0x18: {  	[tilespmem:s12], [sflag:$0x1] =	stream.indirect.gather [hbm4b:s3+s8], $0x10, s11, s8, $0xb8;
	[tilespmem:$0x4600] =	vst v63  }
0x19: {  	_ = 	snop  }
0x1a: {  	[tilespmem:s14], [sflag:$0x1] =	stream.indirect.gather [hbm4b:s3+s8], $0x10, s13, s8, $0xb8;
	[tilespmem:$0x4600] =	vst v63  }
0x1b: {  	_ = 	snop  }
0x1c: {  	[tilespmem:s16], [sflag:$0x1] =	stream.indirect.gather [hbm4b:s3+s8], $0x10, s15, s8, $0xb8;
	[tilespmem:$0x4600] =	vst v63  }
0x1d: {  	_ = 	snop  }
0x1e: {  	[tilespmem:s18], [sflag:$0x1] =	stream.indirect.gather [hbm4b:s3+s8], $0x10, s17, s8, $0xb8;
	[tilespmem:$0x4600] =	vst v63  }
0x1f: {  	_ = 	snop  }
0x20: {  	[tilespmem:s20], [sflag:$0x1] =	stream.indirect.gather [hbm4b:s3+s8], $0x10, s19, s8, $0xb8;
	[tilespmem:$0x4600] =	vst v63  }
0x21: {  	_ = 	snop  }
0x22: {  	[tilespmem:s22], [sflag:$0x1] =	stream.indirect.gather [hbm4b:s3+s8], $0x10, s21, s8, $0xb8;
	[tilespmem:$0x4600] =	vst v63  }
0x23: {  	_ =	swait.ge [sflag:s23], $0x800  }
0x24: {  	[sflag:s23] =	ssyncset.done $0x0  }
0x25: {  	[sflag:s23] =	ssyncadd.s32 $0xFFFFF800  }
0x26: {  	_ =	swait.ge [sflag:s23], $0x800  }
0x27: {  	[sflag:s23] =	ssyncset.done $0x0  }
0x28: {  	[sflag:s23] =	ssyncadd.s32 $0xFFFFF800  }
0x29: {  	_ =	swait.ge [sflag:s23], $0x800  }
0x2a: {  	[sflag:s23] =	ssyncset.done $0x0  }
0x2b: {  	[sflag:s23] =	ssyncadd.s32 $0xFFFFF800  }
0x2c: {  	_ =	swait.ge [sflag:s23], $0x800  }
0x2d: {  	[sflag:s23] =	ssyncset.done $0x0  }
0x2e: {  	[sflag:s23] =	ssyncadd.s32 $0xFFFFF800  }
0x2f: {  	_ =	swait.ge [sflag:s23], $0x800  }
0x30: {  	[sflag:s23] =	ssyncset.done $0x0  }
0x31: {  	[sflag:s23] =	ssyncadd.s32 $0xFFFFF800  }
0x32: {  	_ =	swait.ge [sflag:s23], $0x800  }
0x33: {  	[sflag:s23] =	ssyncset.done $0x0  }
0x34: {  	[sflag:s23] =	ssyncadd.s32 $0xFFFFF800  }
0x35: {  	_ =	swait.ge [sflag:s23], $0x800  }
0x36: {  	[sflag:s23] =	ssyncset.done $0x0  }
0x37: {  	[sflag:s23] =	ssyncadd.s32 $0xFFFFF800  }
0x38: {  	_ =	swait.ge [sflag:s23], $0x800  }
0x39: {  	[sflag:s23] =	ssyncset.done $0x0  }
0x3a: {  	s26 =	simm.s32 $0x500;
	s28 =	simm.s32 $0x0;
	[sflag:s23] =	ssyncadd.s32 $0xFFFFF800  }
.LBB2_2:
0x3b: {  	v0 =	vld [tilespmem:s26+$0xFFFFFF00]  }
0x3c: {  	v1 =	vld [tilespmem:s26+$0xFFFFFF10]  }
0x3d: {  	v2 =	vld [tilespmem:s26+$0xFFFFFF20]  }
0x3e: {  	v3 =	vld [tilespmem:s26+$0xFFFFFF30]  }
0x3f: {  	v4 =	vld [tilespmem:s26+$0xFFFFFF40]  }
0x40: {  	v5 =	vld [tilespmem:s26+$0xFFFFFF50]  }
0x41: {  	v6 =	vld [tilespmem:s26+$0xFFFFFF60]  }
0x42: {  	v7 =	vld [tilespmem:s26+$0xFFFFFF70]  }
0x43: {  	v8 =	vld [tilespmem:s26+$0xFFFFFF80]  }
0x44: {  	v9 =	vld [tilespmem:s26+$0xFFFFFF90]  }
0x45: {  	v10 =	vld [tilespmem:s26+$0xFFFFFFA0]  }
0x46: {  	v11 =	vld [tilespmem:s26+$0xFFFFFFB0]  }
0x47: {  	v12 =	vld [tilespmem:s26+$0xFFFFFFC0]  }
0x48: {  	v13 =	vld [tilespmem:s26+$0xFFFFFFD0]  }
0x49: {  	v14 =	vld [tilespmem:s26+$0xFFFFFFE0]  }
0x4a: {  	v15 =	vld [tilespmem:s26+$0xFFFFFFF0]  }
0x4b: {  	v16 =	vld [tilespmem:s26+$0x0]  }
0x4c: {  	v17 =	vld [tilespmem:s26+$0x10]  }
0x4d: {  	v18 =	vld [tilespmem:s26+$0x20]  }
0x4e: {  	v19 =	vld [tilespmem:s26+$0x30]  }
0x4f: {  	v54 =	vld [tilespmem:s26+$0x40]  }
0x50: {  	v55 =	vld [tilespmem:s26+$0x50];
	v0 =	vmul.f32 v1, v0  }
0x51: {  	v57 =	vld [tilespmem:s26+$0x60];
	v2 =	vmul.f32 v3, v2  }
0x52: {  	v59 =	vld [tilespmem:s26+$0x70];
	v56 =	vmul.f32 v5, v4;
	(xrf2) =	vadd.scan.msk.f32 $0xffff, v0  }
0x53: {  	v61 =	vld [tilespmem:s26+$0x80];
	v58 =	vmul.f32 v7, v6;
	(xrf2) =	vadd.scan.msk.f32 $0xffff, v2  }
0x54: {  	v63 =	vld [tilespmem:s26+$0x90];
	v60 =	vmul.f32 v9, v8;
	(xrf2) =	vadd.scan.msk.f32 $0xffff, v56  }
0x55: {  	v20 =	vld [tilespmem:s26+$0xA0];
	v62 =	vmul.f32 v11, v10;
	(xrf2) =	vadd.scan.msk.f32 $0xffff, v58  }
0x56: {  	v22 =	vld [tilespmem:s26+$0xB0];
	v13 =	vmul.f32 v13, v12;
	(xrf2) =	vadd.scan.msk.f32 $0xffff, v60  }
0x57: {  	v24 =	vld [tilespmem:s26+$0xC0];
	v21 =	vmul.f32 v15, v14;
	(xrf2) =	vadd.scan.msk.f32 $0xffff, v62  }
0x58: {  	v26 =	vld [tilespmem:s26+$0xD0];
	v23 =	vmul.f32 v17, v16;
	(xrf2) =	vadd.scan.msk.f32 $0xffff, v13  }
0x59: {  	v25 =	vmul.f32 v19, v18;
	(xrf2) =	vadd.scan.msk.f32 $0xffff, v21  }
0x5a: {  	v27 =	vmul.f32 v55, v54;
	(xrf2) =	vadd.scan.msk.f32 $0xffff, v23  }
0x5b: {  	v29 =	vld [tilespmem:s26+$0xE0];
	v28 =	vmul.f32 v59, v57;
	(xrf2) =	vadd.scan.msk.f32 $0xffff, v25  }
0x5c: {  	v32 =	vld [tilespmem:s26+$0xF0];
	v31 =	vmul.f32 v63, v61;
	v30, _, _ =	vpop (xrf2);
	(xrf2) =	vadd.scan.msk.f32 $0xffff, v27  }
0x5d: {  	v35 =	vmul.f32 v22, v20;
	v38 =	vmul.f32 v26, v24;
	v33, _, _ =	vpop (xrf2);
	(xrf2) =	vadd.scan.msk.f32 $0xffff, v28  }
0x5e: {  	v34 =	vbroadcast v30, $0xF;
	v36, _, _ =	vpop (xrf2);
	(xrf2) =	vadd.scan.msk.f32 $0xffff, v31;
	v37 =	vbroadcast v33, $0xF  }
0x5f: {  	v39, _, _ =	vpop (xrf2);
	(xrf2) =	vadd.scan.msk.f32 $0xffff, v35;
	v40 =	vbroadcast v36, $0xF  }
0x60: {  	v0 =	vsel vm0, v34, v37;
	v41 =	vbroadcast v39, $0xF;
	v42, _, _ =	vpop (xrf2);
	(xrf2) =	vadd.scan.msk.f32 $0xffff, v38  }
0x61: {  	v2 =	vmul.f32 v32, v29;
	v43, _, _ =	vpop (xrf2);
	v0 =	vsel vm1, v0, v40;
	v44 =	vbroadcast v42, $0xF  }
0x62: {  	v45, _, _ =	vpop (xrf2);
	v0 =	vsel vm2, v0, v41;
	v46 =	vbroadcast v43, $0xF  }
0x63: {  	(xrf2) =	vadd.scan.msk.f32 $0xffff, v2;
	v0 =	vsel vm3, v0, v44;
	v47 =	vbroadcast v45, $0xF;
	v48, _, _ =	vpop (xrf2)  }
0x64: {  	v49, _, _ =	vpop (xrf2);
	v0 =	vsel vm4, v0, v46;
	v50 =	vbroadcast v48, $0xF  }
0x65: {  	v51, _, _ =	vpop (xrf2);
	v0 =	vsel vm5, v0, v47;
	v2 =	vbroadcast v49, $0xF  }
0x66: {  	v52, _, _ =	vpop (xrf2);
	v0 =	vsel vm6, v0, v50;
	v53 =	vbroadcast v51, $0xF  }
0x67: {  	v54, _, _ =	vpop (xrf2);
	v0 =	vsel vm7, v0, v2;
	v55 =	vbroadcast v52, $0xF  }
0x68: {  	v56, _, _ =	vpop (xrf2);
	v0 =	vsel vm8, v0, v53;
	v57 =	vbroadcast v54, $0xF  }
0x69: {  	v58, _, _ =	vpop (xrf2);
	v0 =	vsel vm9, v0, v55;
	v59 =	vbroadcast v56, $0xF  }
0x6a: {  	p0 =	sne.s32 s28, $0x7C0;
	v60, _, _ =	vpop (xrf2);
	v0 =	vsel vm10, v0, v57;
	v61 =	vbroadcast v58, $0xF  }
.Ltmp0:
0x6b: {  	v0 =	vsel vm11, v0, v59;
	v62 =	vbroadcast v60, $0xF;
	(pc) =	sbr.rel @p0 .LBB2_2-.Ltmp0, $4  }
0x6c: {  	v0 =	vsel vm12, v0, v61  }
0x6d: {  	v63, _, _ =	vpop (xrf2);
	v0 =	vsel vm13, v0, v62  }
0x6e: {  	s29 =	sshra.s32 s28, $0x2;
	v0 =	vsel vm14, v0, v63  }
0x6f: {  	s26 =	sadd.s32 $0x200, s26;
	s28 =	sadd.s32 $0x40, s28;
	[tilespmem:s29+$0x4400] =	vst v0  }
0x70: {  	s25 =	sadd.s32 $0x1, s25  }
0x71: {  	p0 =	sne.s32 s25, s6  }
.Ltmp1:
0x72: {  	_ = 	snop;
	(pc) =	sbr.rel @p0 .LBB2_1-.Ltmp1, $4  }
0x73: {  	[hbm4b:s5+s2] =	stream.linear.scatter [tilespmem:s24], [sflag:$0x2], $0x200, $0x38;
	[tilespmem:$0x4600] =	vst v63  }
0x74: {  	_ =	swait.ge [sflag:s7], $0x200  }
0x75: {  	[sflag:s7] =	ssyncset.done $0x0  }
0x76: {  	[sflag:s7] =	ssyncadd.s32 $0xFFFFFE00  }
0x77: {  	_ =	sfence.sel $0x180000  }
0x78: {  	[bflag:$0x0] =	sbarrier.arrive $0xFFFF  }
0x79: {  	p0 =	sne.s32 s1, $0x0;
	_ =	strace $0x90000047  }
0x7a: {  	s0 =	sadd.s32 @!p0 $0x100000, s0;
	[bflag:$0x2] =	sbarrier.arrive $0xFFFF  }
0x7b: {  	[sflag:s0] =	ssyncadd.tile.s32 @!p0 $0x1;
	_ =	shalt  }
.Lfunc_end2:
_tile_overlayer_lowered:
.L_overlay_start_2:
0x7c: {  	(tag) =	ssettag $0x2  }
0x7d: {  	s0 =	rddreg [dreg:$0x0];
	s2 =	stileid.u32  }
0x7e: {  	s1 =	rddreg [dreg:$0x1];
	p0 =	sne.s32 s2, $0x0  }
0x7f: {  	s3 =	rddreg [dreg:$0x2];
	[bflag:$0x3] =	sbarrier.arrive $0xFFFF;
	s2 =	simm.s32 @!p0 $0x1C02  }
0x80: {  	[timem:s3], [sflag:s2] =	dma.local @!p0 [hbm:s0], s1  }
0x81: {  	s0 =	simm.s32 @!p0 $0x2  }
0x82: {  	_ =	swait.ge @!p0 [sflag:s0], s1  }
0x83: {  	s1 =	ssub.s32 @!p0 $0x0, s1;
	[sflag:s0] =	ssyncset.done @!p0 $0x0  }
0x84: {  	[sflag:s0] =	ssyncadd.s32 @!p0 s1  }
0x85: {  	[bflag:$0x3] =	sbarrier.arrive $0xFFFF  }
0x86: {  	_ =	shalt  }

</sc_bundles>
